<compile_context>
chip_gen: v7x
topology: tpu7x:2x2x1
jax: 0.10.2.dev20260603
libtpu: 0.0.44.dev20260713+nightly
codegen_flags: <defaults>
</compile_context>

<pallas_src>
import jax
import jax.numpy as jnp
from jax import lax
from jax.experimental import pallas as pl
from jax.experimental.pallas import tpu as pltpu
from jax.experimental.pallas import tpu_sc as plsc

NC = 2
NS = 16
NW = NC * NS

NROW = 4096
SEQ = 50
D = 64
RB = NROW // NW
L = 16


def _emb_body(x_hbm, table_hbm, out_hbm, idx_v, idx_t, g_v, t_v, drain_v,
              gsem0, gsem1, wsem0, wsem1):
    wid = lax.axis_index("s") * NC + lax.axis_index("c")

    pltpu.sync_copy(x_hbm.at[pl.ds(wid * RB, RB)], idx_v)

    gsems = (gsem0, gsem1)
    wsems = (wsem0, wsem1)

    sbase = lax.iota(jnp.int32, L)
    smask = sbase < (SEQ - 3 * L)

    def tr_idx(i):
        col = jnp.full((L,), i, jnp.int32)
        for k in range(3):
            vals = idx_v[i, pl.ds(k * L, L)]
            plsc.store_scatter(idx_t, [sbase + k * L, col], vals)
        vals = plsc.load_gather(
            idx_v, [jnp.full((L,), i, jnp.int32), sbase + 3 * L], mask=smask
        )
        plsc.store_scatter(idx_t, [sbase + 3 * L, col], vals, mask=smask)

    pl.loop(0, RB)(tr_idx)

    def fire_gather(s, b):
        pltpu.async_copy(
            table_hbm.at[idx_t.at[s, pl.ds(0, RB)]], g_v.at[b], gsems[b]
        )

    dbase = lax.iota(jnp.int32, L)
    djs = [dbase + j * L for j in range(D // L)]

    def do_s(s, b):
        @pl.when(s >= 2)
        def _():
            pltpu.make_async_copy(
                out_hbm.at[s - 2, :, wid], drain_v, wsems[b]
            ).wait()

        pltpu.make_async_copy(
            table_hbm.at[idx_t.at[s, pl.ds(0, RB)]], g_v.at[b], gsems[b]
        ).wait()

        def tr_row(i0):
            for u in range(4):
                i = i0 + u
                col = jnp.full((L,), i, jnp.int32)
                for j in range(D // L):
                    vals = g_v[b, i, pl.ds(j * L, L)]
                    plsc.store_scatter(t_v.at[b], [djs[j], col], vals)

        pl.loop(0, RB, step=4)(tr_row)

        for dt in range(D // 8):
            pltpu.async_copy(
                t_v.at[b, pl.ds(dt * 8, 8), pl.ds(0, RB)],
                out_hbm.at[s, dt, wid],
                wsems[b],
            )

        @pl.when(s + 2 < SEQ)
        def _():
            fire_gather(s + 2, b)

    for b in range(2):
        fire_gather(b, b)

    def grp(g):
        do_s(g, 0)
        do_s(g + 1, 1)

    pl.loop(0, SEQ, step=2)(grp)

    for b in range(2):
        s = SEQ - 2 + b
        pltpu.make_async_copy(
            out_hbm.at[s, :, wid], drain_v, wsems[b]
        ).wait()


@jax.jit
def kernel(x, table):
    mesh = plsc.VectorSubcoreMesh(core_axis_name="c", subcore_axis_name="s")
    tmp = pl.kernel(
        _emb_body,
        out_type=jax.ShapeDtypeStruct((SEQ, D // 8, NW, 8, RB), jnp.float32),
        mesh=mesh,
        scratch_types=[
            pltpu.VMEM((RB, SEQ), jnp.int32),
            pltpu.VMEM((SEQ, 129), jnp.int32),
            pltpu.VMEM((2, RB, D), jnp.float32),
            pltpu.VMEM((2, D, 129), jnp.float32),
            pltpu.VMEM((D // 8, 8, RB), jnp.float32),
            pltpu.SemaphoreType.DMA,
            pltpu.SemaphoreType.DMA,
            pltpu.SemaphoreType.DMA,
            pltpu.SemaphoreType.DMA,
        ],
        compiler_params=pltpu.CompilerParams(
            use_tc_tiling_on_sc=False, needs_layout_passes=False
        ),
    )(x, table)
    return tmp.transpose(2, 4, 0, 1, 3).reshape(NROW, SEQ, D)

# --- scband reference (transcript-rebuilt; emitter-appended) ---
"""Pipeline reference for scband-embedding-26740466385289 (READ-ONLY COPY).

The authoritative reference and input builder live on the scoring server;
editing this copy changes nothing except your own understanding.
"""

import jax, jax.numpy as jnp
import numpy as np

VOCAB = 1000000
EMB = 64

def setup_inputs(seed: int = 0) -> dict:
    key = jax.random.key(seed)
    k1, k2 = jax.random.split(key)
    x = jax.random.randint(k1, (4096, 50), 0, VOCAB, dtype=jnp.int64) if jax.config.jax_enable_x64 else jax.random.randint(k1, (4096, 50), 0, VOCAB, dtype=jnp.int32)
    table = jax.random.normal(k2, (VOCAB, EMB), dtype=jnp.float32)
    return {"x": x, "table": table}

def reference(x, table):
    # nn.Embedding lookup; dropout p=0.0 is identity; norm=False skips LayerNorm
    out = jnp.take(table, x, axis=0)
    return out

if __name__ == "__main__":
    import jax
    _d = setup_inputs()
    print(jax.jit(kernel)(*tuple(_d.values())))

</pallas_src>

<mosaic_0001>
#map = affine_map<(d0, d1) -> (0, 0)>
#map1 = affine_map<(d0, d1) -> (0, 0, 0, 0, 0)>
module attributes {stable_mosaic.version = 14 : i64} {
  func.func @_emb_body(%arg0: i32, %arg1: i32, %arg2: memref<4096x50xi32, #tpu.memory_space<hbm>>, %arg3: memref<1000000x64xf32, #tpu.memory_space<hbm>>, %arg4: memref<50x8x32x8x128xf32, #tpu.memory_space<hbm>>, %arg5: memref<128x50xi32, #tpu.memory_space<vmem>>, %arg6: memref<50x129xi32, #tpu.memory_space<vmem>>, %arg7: memref<2x128x64xf32, #tpu.memory_space<vmem>>, %arg8: memref<2x64x129xf32, #tpu.memory_space<vmem>>, %arg9: memref<8x8x128xf32, #tpu.memory_space<vmem>>, %arg10: memref<!tpu.dma_semaphore, #tpu.memory_space<semaphore_mem>>, %arg11: memref<!tpu.dma_semaphore, #tpu.memory_space<semaphore_mem>>, %arg12: memref<!tpu.dma_semaphore, #tpu.memory_space<semaphore_mem>>, %arg13: memref<!tpu.dma_semaphore, #tpu.memory_space<semaphore_mem>>) attributes {dimension_semantics = [#tpu.dimension_semantics<core_parallel>, #tpu.dimension_semantics<subcore_parallel>], iteration_bounds = array<i64: 2, 16>, scalar_prefetch = 0 : i64, scratch_operands = 9 : i64, tpu.core_type = #tpu.core_type<sc_vector_subcore>, window_params = [{transform_indices = #map}, {transform_indices = #map}, {transform_indices = #map1}]} {
    %mul3A = arith.constant 2 : i32
    %mul3A_0 = arith.muli %arg1, %mul3A : i32
    %add3A = arith.addi %mul3A_0, %arg0 : i32
    %mul3A_1 = arith.constant 128 : i32
    %mul3A_2 = arith.muli %add3A, %mul3A_1 : i32
    "tpu.region"() ({
      %run_scoped3A = tpu.sem_alloc : memref<!tpu.dma_semaphore, #tpu.memory_space<semaphore_mem>>
      %dma_start3A_71 = arith.constant 0 : i32
      %dma_start3A_72 = tpu.memref_slice %arg2[%mul3A_2, %dma_start3A_71] : memref<4096x50xi32, #tpu.memory_space<hbm>> -> memref<128x50xi32, #tpu.memory_space<hbm>>
      %dma_start3A_73 = arith.constant 0 : i32
      %dma_start3A_74 = tpu.memref_slice %arg2[%mul3A_2, %dma_start3A_73] : memref<4096x50xi32, #tpu.memory_space<hbm>> -> memref<128x50xi32, #tpu.memory_space<hbm>>
      tpu.enqueue_dma source(%dma_start3A_74 : memref<128x50xi32, #tpu.memory_space<hbm>>) target(%arg5 : memref<128x50xi32, #tpu.memory_space<vmem>>) target_semaphore(%run_scoped3A : memref<!tpu.dma_semaphore, #tpu.memory_space<semaphore_mem>>)
      %dma_wait3A_75 = arith.constant 0 : i32
      %dma_wait3A_76 = tpu.memref_slice %arg2[%mul3A_2, %dma_wait3A_75] : memref<4096x50xi32, #tpu.memory_space<hbm>> -> memref<128x50xi32, #tpu.memory_space<hbm>>
      %dma_wait3A_77 = arith.constant 0 : i32
      %dma_wait3A_78 = tpu.memref_slice %arg2[%mul3A_2, %dma_wait3A_77] : memref<4096x50xi32, #tpu.memory_space<hbm>> -> memref<128x50xi32, #tpu.memory_space<hbm>>
      tpu.wait_dma2 semaphore(%run_scoped3A : memref<!tpu.dma_semaphore, #tpu.memory_space<semaphore_mem>>) src(%dma_wait3A_78 : memref<128x50xi32, #tpu.memory_space<hbm>>) dst(%arg5 : memref<128x50xi32, #tpu.memory_space<vmem>>)
      tpu.yield
    }) : () -> ()
    %iota3A = tpu.iota {dimensions = array<i32: 0>} : vector<16xi32>
    %lt3A = arith.constant 2 : i32
    %lt3A_3 = vector.broadcast %lt3A : i32 to vector<16xi32>
    %lt3A_4 = arith.cmpi slt, %iota3A, %lt3A_3 : vector<16xi32>
    %scan3A = arith.constant 0 : i32
    %scan3A_5 = arith.constant 128 : i32
    %scan3A_6 = arith.addi %scan3A, %scan3A_5 : i32
    %scan3A_7 = arith.constant 1 : i32
    scf.for %scan3A_71 = %scan3A to %scan3A_6 step %scan3A_7  : i32 {
      %mul3A_72 = arith.constant 1 : i32
      %mul3A_73 = arith.muli %scan3A_71, %mul3A_72 : i32
      %add3A_74 = arith.constant 0 : i32
      %add3A_75 = arith.addi %add3A_74, %mul3A_73 : i32
      %broadcast_in_dim3A = vector.broadcast %add3A_75 : i32 to vector<16xi32>
      %get3A = arith.index_cast %add3A_75 : i32 to index
      %get3A_76 = arith.constant 0 : index
      %get3A_77 = tpu.vector_load %arg5[%get3A, %get3A_76] {strides = array<i32>} : memref<128x50xi32, #tpu.memory_space<vmem>>, vector<16xi32>,
      %add3A_78 = arith.constant 0 : i32
      %add3A_79 = vector.broadcast %add3A_78 : i32 to vector<16xi32>
      %add3A_80 = arith.addi %iota3A, %add3A_79 : vector<16xi32>
      tpu.vector_store_idx %arg6[%add3A_80, %broadcast_in_dim3A], %get3A_77 : memref<50x129xi32, #tpu.memory_space<vmem>>[vector<16xi32>, vector<16xi32>], vector<16xi32>,
      %get3A_81 = arith.index_cast %add3A_75 : i32 to index
      %get3A_82 = arith.constant 16 : index
      %get3A_83 = tpu.vector_load %arg5[%get3A_81, %get3A_82] {strides = array<i32>} : memref<128x50xi32, #tpu.memory_space<vmem>>, vector<16xi32>,
      %add3A_84 = arith.constant 16 : i32
      %add3A_85 = vector.broadcast %add3A_84 : i32 to vector<16xi32>
      %add3A_86 = arith.addi %iota3A, %add3A_85 : vector<16xi32>
      tpu.vector_store_idx %arg6[%add3A_86, %broadcast_in_dim3A], %get3A_83 : memref<50x129xi32, #tpu.memory_space<vmem>>[vector<16xi32>, vector<16xi32>], vector<16xi32>,
      %get3A_87 = arith.index_cast %add3A_75 : i32 to index
      %get3A_88 = arith.constant 32 : index
      %get3A_89 = tpu.vector_load %arg5[%get3A_87, %get3A_88] {strides = array<i32>} : memref<128x50xi32, #tpu.memory_space<vmem>>, vector<16xi32>,
      %add3A_90 = arith.constant 32 : i32
      %add3A_91 = vector.broadcast %add3A_90 : i32 to vector<16xi32>
      %add3A_92 = arith.addi %iota3A, %add3A_91 : vector<16xi32>
      tpu.vector_store_idx %arg6[%add3A_92, %broadcast_in_dim3A], %get3A_89 : memref<50x129xi32, #tpu.memory_space<vmem>>[vector<16xi32>, vector<16xi32>], vector<16xi32>,
      %broadcast_in_dim3A_93 = vector.broadcast %add3A_75 : i32 to vector<16xi32>
      %add3A_94 = arith.constant 48 : i32
      %add3A_95 = vector.broadcast %add3A_94 : i32 to vector<16xi32>
      %add3A_96 = arith.addi %iota3A, %add3A_95 : vector<16xi32>
      %gather3A = tpu.vector_load_idx %arg5[%broadcast_in_dim3A_93, %add3A_96] masked %lt3A_4 : memref<128x50xi32, #tpu.memory_space<vmem>>[vector<16xi32>, vector<16xi32>], vector<16xi32>, vector<16xi1>
      %add3A_97 = arith.constant 48 : i32
      %add3A_98 = vector.broadcast %add3A_97 : i32 to vector<16xi32>
      %add3A_99 = arith.addi %iota3A, %add3A_98 : vector<16xi32>
      tpu.vector_store_idx %arg6[%add3A_99, %broadcast_in_dim3A], %gather3A masked %lt3A_4 : memref<50x129xi32, #tpu.memory_space<vmem>>[vector<16xi32>, vector<16xi32>], vector<16xi32>, vector<16xi1>
    }
    %scan3A_8 = arith.constant 128 : i32
    %iota3A_9 = tpu.iota {dimensions = array<i32: 0>} : vector<16xi32>
    %add3A_10 = arith.constant 0 : i32
    %add3A_11 = vector.broadcast %add3A_10 : i32 to vector<16xi32>
    %add3A_12 = arith.addi %iota3A_9, %add3A_11 : vector<16xi32>
    %add3A_13 = arith.constant 16 : i32
    %add3A_14 = vector.broadcast %add3A_13 : i32 to vector<16xi32>
    %add3A_15 = arith.addi %iota3A_9, %add3A_14 : vector<16xi32>
    %add3A_16 = arith.constant 32 : i32
    %add3A_17 = vector.broadcast %add3A_16 : i32 to vector<16xi32>
    %add3A_18 = arith.addi %iota3A_9, %add3A_17 : vector<16xi32>
    %add3A_19 = arith.constant 48 : i32
    %add3A_20 = vector.broadcast %add3A_19 : i32 to vector<16xi32>
    %add3A_21 = arith.addi %iota3A_9, %add3A_20 : vector<16xi32>
    %dma_start3A = arith.constant 0 : i32
    %dma_start3A_22 = arith.constant 0 : i32
    %dma_start3A_23 = arith.constant 0 : i32
    %dma_start3A_24 = arith.constant 0 : i32
    %dma_start3A_25 = tpu.memref_slice %arg7[%dma_start3A_22, %dma_start3A_23, %dma_start3A_24] : memref<2x128x64xf32, #tpu.memory_space<vmem>> -> memref<1x128x64xf32, #tpu.memory_space<vmem>>
    %dma_start3A_26 = tpu.memref_squeeze %dma_start3A_25 : memref<1x128x64xf32, #tpu.memory_space<vmem>> -> memref<128x64xf32, #tpu.memory_space<vmem>>
    %dma_start3A_27 = arith.constant 0 : i32
    %dma_start3A_28 = tpu.memref_slice %arg6[%dma_start3A, %dma_start3A_27] : memref<50x129xi32, #tpu.memory_space<vmem>> -> memref<1x128xi32, #tpu.memory_space<vmem>>
    %dma_start3A_29 = tpu.memref_squeeze %dma_start3A_28 : memref<1x128xi32, #tpu.memory_space<vmem>> -> memref<128xi32, #tpu.memory_space<vmem>>
    %dma_start3A_30 = arith.constant 0 : i32
    %dma_start3A_31 = arith.constant 0 : i32
    %dma_start3A_32 = tpu.memref_slice %arg3[%dma_start3A_30, %dma_start3A_31] : memref<1000000x64xf32, #tpu.memory_space<hbm>> -> memref<1000000x64xf32, #tpu.memory_space<hbm>>
    tpu.enqueue_indirect_dma source(%dma_start3A_32 : memref<1000000x64xf32, #tpu.memory_space<hbm>>) target(%dma_start3A_26 : memref<128x64xf32, #tpu.memory_space<vmem>>) offsets(%dma_start3A_29 : memref<128xi32, #tpu.memory_space<vmem>>) semaphore(%arg10 : memref<!tpu.dma_semaphore, #tpu.memory_space<semaphore_mem>>)
    %dma_start3A_33 = arith.constant 1 : i32
    %dma_start3A_34 = arith.constant 1 : i32
    %dma_start3A_35 = arith.constant 0 : i32
    %dma_start3A_36 = arith.constant 0 : i32
    %dma_start3A_37 = tpu.memref_slice %arg7[%dma_start3A_34, %dma_start3A_35, %dma_start3A_36] : memref<2x128x64xf32, #tpu.memory_space<vmem>> -> memref<1x128x64xf32, #tpu.memory_space<vmem>>
    %dma_start3A_38 = tpu.memref_squeeze %dma_start3A_37 : memref<1x128x64xf32, #tpu.memory_space<vmem>> -> memref<128x64xf32, #tpu.memory_space<vmem>>
    %dma_start3A_39 = arith.constant 0 : i32
    %dma_start3A_40 = tpu.memref_slice %arg6[%dma_start3A_33, %dma_start3A_39] : memref<50x129xi32, #tpu.memory_space<vmem>> -> memref<1x128xi32, #tpu.memory_space<vmem>>
    %dma_start3A_41 = tpu.memref_squeeze %dma_start3A_40 : memref<1x128xi32, #tpu.memory_space<vmem>> -> memref<128xi32, #tpu.memory_space<vmem>>
    %dma_start3A_42 = arith.constant 0 : i32
    %dma_start3A_43 = arith.constant 0 : i32
    %dma_start3A_44 = tpu.memref_slice %arg3[%dma_start3A_42, %dma_start3A_43] : memref<1000000x64xf32, #tpu.memory_space<hbm>> -> memref<1000000x64xf32, #tpu.memory_space<hbm>>
    tpu.enqueue_indirect_dma source(%dma_start3A_44 : memref<1000000x64xf32, #tpu.memory_space<hbm>>) target(%dma_start3A_38 : memref<128x64xf32, #tpu.memory_space<vmem>>) offsets(%dma_start3A_41 : memref<128xi32, #tpu.memory_space<vmem>>) semaphore(%arg11 : memref<!tpu.dma_semaphore, #tpu.memory_space<semaphore_mem>>)
    %scan3A_45 = arith.constant 0 : i32
    %scan3A_46 = arith.constant 25 : i32
    %scan3A_47 = arith.addi %scan3A_45, %scan3A_46 : i32
    %scan3A_48 = arith.constant 1 : i32
    scf.for %scan3A_71 = %scan3A_45 to %scan3A_47 step %scan3A_48  : i32 {
      %mul3A_72 = arith.constant 2 : i32
      %mul3A_73 = arith.muli %scan3A_71, %mul3A_72 : i32
      %add3A_74 = arith.constant 0 : i32
      %add3A_75 = arith.addi %add3A_74, %mul3A_73 : i32
      %ge3A = arith.constant 2 : i32
      %ge3A_76 = arith.cmpi sge, %add3A_75, %ge3A : i32
      %convert_element_type3A = arith.extui %ge3A_76 : i1 to i32
      %cond3A = arith.constant 0 : i32
      %cond3A_77 = arith.cmpi ne, %convert_element_type3A, %cond3A : i32
      scf.if %cond3A_77 {
        %sub3A = arith.constant 2 : i32
        %sub3A_419 = arith.subi %add3A_75, %sub3A : i32
        %dma_wait3A_420 = arith.constant 0 : i32
        %dma_wait3A_421 = arith.constant 0 : i32
        %dma_wait3A_422 = arith.constant 0 : i32
        %dma_wait3A_423 = tpu.memref_slice %arg4[%sub3A_419, %dma_wait3A_420, %add3A, %dma_wait3A_421, %dma_wait3A_422] : memref<50x8x32x8x128xf32, #tpu.memory_space<hbm>> -> memref<1x8x1x8x128xf32, #tpu.memory_space<hbm>>
        %dma_wait3A_424 = tpu.memref_squeeze %dma_wait3A_423 : memref<1x8x1x8x128xf32, #tpu.memory_space<hbm>> -> memref<8x8x128xf32, #tpu.memory_space<hbm>>
        %dma_wait3A_425 = arith.constant 0 : i32
        %dma_wait3A_426 = arith.constant 0 : i32
        %dma_wait3A_427 = arith.constant 0 : i32
        %dma_wait3A_428 = tpu.memref_slice %arg4[%sub3A_419, %dma_wait3A_425, %add3A, %dma_wait3A_426, %dma_wait3A_427] : memref<50x8x32x8x128xf32, #tpu.memory_space<hbm>> -> memref<1x8x1x8x128xf32, #tpu.memory_space<hbm>>
        %dma_wait3A_429 = tpu.memref_squeeze %dma_wait3A_428 : memref<1x8x1x8x128xf32, #tpu.memory_space<hbm>> -> memref<8x8x128xf32, #tpu.memory_space<hbm>>
        tpu.wait_dma2 semaphore(%arg12 : memref<!tpu.dma_semaphore, #tpu.memory_space<semaphore_mem>>) src(%dma_wait3A_429 : memref<8x8x128xf32, #tpu.memory_space<hbm>>) dst(%arg9 : memref<8x8x128xf32, #tpu.memory_space<vmem>>)
      } else {
      }
      %dma_wait3A_78 = arith.constant 0 : i32
      %dma_wait3A_79 = arith.constant 0 : i32
      %dma_wait3A_80 = arith.constant 0 : i32
      %dma_wait3A_81 = tpu.memref_slice %arg7[%dma_wait3A_78, %dma_wait3A_79, %dma_wait3A_80] : memref<2x128x64xf32, #tpu.memory_space<vmem>> -> memref<1x128x64xf32, #tpu.memory_space<vmem>>
      %dma_wait3A_82 = tpu.memref_squeeze %dma_wait3A_81 : memref<1x128x64xf32, #tpu.memory_space<vmem>> -> memref<128x64xf32, #tpu.memory_space<vmem>>
      %dma_wait3A_83 = arith.constant 0 : i32
      %dma_wait3A_84 = tpu.memref_slice %arg6[%add3A_75, %dma_wait3A_83] : memref<50x129xi32, #tpu.memory_space<vmem>> -> memref<1x128xi32, #tpu.memory_space<vmem>>
      %dma_wait3A_85 = tpu.memref_squeeze %dma_wait3A_84 : memref<1x128xi32, #tpu.memory_space<vmem>> -> memref<128xi32, #tpu.memory_space<vmem>>
      %dma_wait3A_86 = arith.constant 0 : i32
      %dma_wait3A_87 = arith.constant 0 : i32
      %dma_wait3A_88 = tpu.memref_slice %arg3[%dma_wait3A_86, %dma_wait3A_87] : memref<1000000x64xf32, #tpu.memory_space<hbm>> -> memref<1000000x64xf32, #tpu.memory_space<hbm>>
      tpu.wait_indirect_dma semaphore(%arg10 : memref<!tpu.dma_semaphore, #tpu.memory_space<semaphore_mem>>) src(%dma_wait3A_88 : memref<1000000x64xf32, #tpu.memory_space<hbm>>) dst(%dma_wait3A_82 : memref<128x64xf32, #tpu.memory_space<vmem>>)
      %scan3A_89 = arith.constant 0 : i32
      %scan3A_90 = arith.constant 32 : i32
      %scan3A_91 = arith.addi %scan3A_89, %scan3A_90 : i32
      %scan3A_92 = arith.constant 1 : i32
      scf.for %scan3A_419 = %scan3A_89 to %scan3A_91 step %scan3A_92  : i32 {
        %mul3A_420 = arith.constant 4 : i32
        %mul3A_421 = arith.muli %scan3A_419, %mul3A_420 : i32
        %add3A_422 = arith.constant 0 : i32
        %add3A_423 = arith.addi %add3A_422, %mul3A_421 : i32
        %add3A_424 = arith.constant 0 : i32
        %add3A_425 = arith.addi %add3A_423, %add3A_424 : i32
        %broadcast_in_dim3A = vector.broadcast %add3A_425 : i32 to vector<16xi32>
        %get3A = arith.constant 0 : i32
        %get3A_426 = arith.index_cast %get3A : i32 to index
        %get3A_427 = arith.index_cast %add3A_425 : i32 to index
        %get3A_428 = arith.constant 0 : index
        %get3A_429 = tpu.vector_load %arg7[%get3A_426, %get3A_427, %get3A_428] {strides = array<i32>} : memref<2x128x64xf32, #tpu.memory_space<vmem>>, vector<16xf32>,
        %scatter3A = arith.constant 0 : i32
        %scatter3A_430 = arith.constant 0 : i32
        %scatter3A_431 = arith.constant 0 : i32
        %scatter3A_432 = tpu.memref_slice %arg8[%scatter3A, %scatter3A_430, %scatter3A_431] : memref<2x64x129xf32, #tpu.memory_space<vmem>> -> memref<1x64x129xf32, #tpu.memory_space<vmem>>
        %scatter3A_433 = tpu.memref_squeeze %scatter3A_432 : memref<1x64x129xf32, #tpu.memory_space<vmem>> -> memref<64x129xf32, #tpu.memory_space<vmem>>
        tpu.vector_store_idx %scatter3A_433[%add3A_12, %broadcast_in_dim3A], %get3A_429 : memref<64x129xf32, #tpu.memory_space<vmem>>[vector<16xi32>, vector<16xi32>], vector<16xf32>,
        %get3A_434 = arith.constant 0 : i32
        %get3A_435 = arith.index_cast %get3A_434 : i32 to index
        %get3A_436 = arith.index_cast %add3A_425 : i32 to index
        %get3A_437 = arith.constant 16 : index
        %get3A_438 = tpu.vector_load %arg7[%get3A_435, %get3A_436, %get3A_437] {strides = array<i32>} : memref<2x128x64xf32, #tpu.memory_space<vmem>>, vector<16xf32>,
        %scatter3A_439 = arith.constant 0 : i32
        %scatter3A_440 = arith.constant 0 : i32
        %scatter3A_441 = arith.constant 0 : i32
        %scatter3A_442 = tpu.memref_slice %arg8[%scatter3A_439, %scatter3A_440, %scatter3A_441] : memref<2x64x129xf32, #tpu.memory_space<vmem>> -> memref<1x64x129xf32, #tpu.memory_space<vmem>>
        %scatter3A_443 = tpu.memref_squeeze %scatter3A_442 : memref<1x64x129xf32, #tpu.memory_space<vmem>> -> memref<64x129xf32, #tpu.memory_space<vmem>>
        tpu.vector_store_idx %scatter3A_443[%add3A_15, %broadcast_in_dim3A], %get3A_438 : memref<64x129xf32, #tpu.memory_space<vmem>>[vector<16xi32>, vector<16xi32>], vector<16xf32>,
        %get3A_444 = arith.constant 0 : i32
        %get3A_445 = arith.index_cast %get3A_444 : i32 to index
        %get3A_446 = arith.index_cast %add3A_425 : i32 to index
        %get3A_447 = arith.constant 32 : index
        %get3A_448 = tpu.vector_load %arg7[%get3A_445, %get3A_446, %get3A_447] {strides = array<i32>} : memref<2x128x64xf32, #tpu.memory_space<vmem>>, vector<16xf32>,
        %scatter3A_449 = arith.constant 0 : i32
        %scatter3A_450 = arith.constant 0 : i32
        %scatter3A_451 = arith.constant 0 : i32
        %scatter3A_452 = tpu.memref_slice %arg8[%scatter3A_449, %scatter3A_450, %scatter3A_451] : memref<2x64x129xf32, #tpu.memory_space<vmem>> -> memref<1x64x129xf32, #tpu.memory_space<vmem>>
        %scatter3A_453 = tpu.memref_squeeze %scatter3A_452 : memref<1x64x129xf32, #tpu.memory_space<vmem>> -> memref<64x129xf32, #tpu.memory_space<vmem>>
        tpu.vector_store_idx %scatter3A_453[%add3A_18, %broadcast_in_dim3A], %get3A_448 : memref<64x129xf32, #tpu.memory_space<vmem>>[vector<16xi32>, vector<16xi32>], vector<16xf32>,
        %get3A_454 = arith.constant 0 : i32
        %get3A_455 = arith.index_cast %get3A_454 : i32 to index
        %get3A_456 = arith.index_cast %add3A_425 : i32 to index
        %get3A_457 = arith.constant 48 : index
        %get3A_458 = tpu.vector_load %arg7[%get3A_455, %get3A_456, %get3A_457] {strides = array<i32>} : memref<2x128x64xf32, #tpu.memory_space<vmem>>, vector<16xf32>,
        %scatter3A_459 = arith.constant 0 : i32
        %scatter3A_460 = arith.constant 0 : i32
        %scatter3A_461 = arith.constant 0 : i32
        %scatter3A_462 = tpu.memref_slice %arg8[%scatter3A_459, %scatter3A_460, %scatter3A_461] : memref<2x64x129xf32, #tpu.memory_space<vmem>> -> memref<1x64x129xf32, #tpu.memory_space<vmem>>
        %scatter3A_463 = tpu.memref_squeeze %scatter3A_462 : memref<1x64x129xf32, #tpu.memory_space<vmem>> -> memref<64x129xf32, #tpu.memory_space<vmem>>
        tpu.vector_store_idx %scatter3A_463[%add3A_21, %broadcast_in_dim3A], %get3A_458 : memref<64x129xf32, #tpu.memory_space<vmem>>[vector<16xi32>, vector<16xi32>], vector<16xf32>,
        %add3A_464 = arith.constant 1 : i32
        %add3A_465 = arith.addi %add3A_423, %add3A_464 : i32
        %broadcast_in_dim3A_466 = vector.broadcast %add3A_465 : i32 to vector<16xi32>
        %get3A_467 = arith.constant 0 : i32
        %get3A_468 = arith.index_cast %get3A_467 : i32 to index
        %get3A_469 = arith.index_cast %add3A_465 : i32 to index
        %get3A_470 = arith.constant 0 : index
        %get3A_471 = tpu.vector_load %arg7[%get3A_468, %get3A_469, %get3A_470] {strides = array<i32>} : memref<2x128x64xf32, #tpu.memory_space<vmem>>, vector<16xf32>,
        %scatter3A_472 = arith.constant 0 : i32
        %scatter3A_473 = arith.constant 0 : i32
        %scatter3A_474 = arith.constant 0 : i32
        %scatter3A_475 = tpu.memref_slice %arg8[%scatter3A_472, %scatter3A_473, %scatter3A_474] : memref<2x64x129xf32, #tpu.memory_space<vmem>> -> memref<1x64x129xf32, #tpu.memory_space<vmem>>
        %scatter3A_476 = tpu.memref_squeeze %scatter3A_475 : memref<1x64x129xf32, #tpu.memory_space<vmem>> -> memref<64x129xf32, #tpu.memory_space<vmem>>
        tpu.vector_store_idx %scatter3A_476[%add3A_12, %broadcast_in_dim3A_466], %get3A_471 : memref<64x129xf32, #tpu.memory_space<vmem>>[vector<16xi32>, vector<16xi32>], vector<16xf32>,
        %get3A_477 = arith.constant 0 : i32
        %get3A_478 = arith.index_cast %get3A_477 : i32 to index
        %get3A_479 = arith.index_cast %add3A_465 : i32 to index
        %get3A_480 = arith.constant 16 : index
        %get3A_481 = tpu.vector_load %arg7[%get3A_478, %get3A_479, %get3A_480] {strides = array<i32>} : memref<2x128x64xf32, #tpu.memory_space<vmem>>, vector<16xf32>,
        %scatter3A_482 = arith.constant 0 : i32
        %scatter3A_483 = arith.constant 0 : i32
        %scatter3A_484 = arith.constant 0 : i32
        %scatter3A_485 = tpu.memref_slice %arg8[%scatter3A_482, %scatter3A_483, %scatter3A_484] : memref<2x64x129xf32, #tpu.memory_space<vmem>> -> memref<1x64x129xf32, #tpu.memory_space<vmem>>
        %scatter3A_486 = tpu.memref_squeeze %scatter3A_485 : memref<1x64x129xf32, #tpu.memory_space<vmem>> -> memref<64x129xf32, #tpu.memory_space<vmem>>
        tpu.vector_store_idx %scatter3A_486[%add3A_15, %broadcast_in_dim3A_466], %get3A_481 : memref<64x129xf32, #tpu.memory_space<vmem>>[vector<16xi32>, vector<16xi32>], vector<16xf32>,
        %get3A_487 = arith.constant 0 : i32
        %get3A_488 = arith.index_cast %get3A_487 : i32 to index
        %get3A_489 = arith.index_cast %add3A_465 : i32 to index
        %get3A_490 = arith.constant 32 : index
        %get3A_491 = tpu.vector_load %arg7[%get3A_488, %get3A_489, %get3A_490] {strides = array<i32>} : memref<2x128x64xf32, #tpu.memory_space<vmem>>, vector<16xf32>,
        %scatter3A_492 = arith.constant 0 : i32
        %scatter3A_493 = arith.constant 0 : i32
        %scatter3A_494 = arith.constant 0 : i32
        %scatter3A_495 = tpu.memref_slice %arg8[%scatter3A_492, %scatter3A_493, %scatter3A_494] : memref<2x64x129xf32, #tpu.memory_space<vmem>> -> memref<1x64x129xf32, #tpu.memory_space<vmem>>
        %scatter3A_496 = tpu.memref_squeeze %scatter3A_495 : memref<1x64x129xf32, #tpu.memory_space<vmem>> -> memref<64x129xf32, #tpu.memory_space<vmem>>
        tpu.vector_store_idx %scatter3A_496[%add3A_18, %broadcast_in_dim3A_466], %get3A_491 : memref<64x129xf32, #tpu.memory_space<vmem>>[vector<16xi32>, vector<16xi32>], vector<16xf32>,
        %get3A_497 = arith.constant 0 : i32
        %get3A_498 = arith.index_cast %get3A_497 : i32 to index
        %get3A_499 = arith.index_cast %add3A_465 : i32 to index
        %get3A_500 = arith.constant 48 : index
        %get3A_501 = tpu.vector_load %arg7[%get3A_498, %get3A_499, %get3A_500] {strides = array<i32>} : memref<2x128x64xf32, #tpu.memory_space<vmem>>, vector<16xf32>,
        %scatter3A_502 = arith.constant 0 : i32
        %scatter3A_503 = arith.constant 0 : i32
        %scatter3A_504 = arith.constant 0 : i32
        %scatter3A_505 = tpu.memref_slice %arg8[%scatter3A_502, %scatter3A_503, %scatter3A_504] : memref<2x64x129xf32, #tpu.memory_space<vmem>> -> memref<1x64x129xf32, #tpu.memory_space<vmem>>
        %scatter3A_506 = tpu.memref_squeeze %scatter3A_505 : memref<1x64x129xf32, #tpu.memory_space<vmem>> -> memref<64x129xf32, #tpu.memory_space<vmem>>
        tpu.vector_store_idx %scatter3A_506[%add3A_21, %broadcast_in_dim3A_466], %get3A_501 : memref<64x129xf32, #tpu.memory_space<vmem>>[vector<16xi32>, vector<16xi32>], vector<16xf32>,
        %add3A_507 = arith.constant 2 : i32
        %add3A_508 = arith.addi %add3A_423, %add3A_507 : i32
        %broadcast_in_dim3A_509 = vector.broadcast %add3A_508 : i32 to vector<16xi32>
        %get3A_510 = arith.constant 0 : i32
        %get3A_511 = arith.index_cast %get3A_510 : i32 to index
        %get3A_512 = arith.index_cast %add3A_508 : i32 to index
        %get3A_513 = arith.constant 0 : index
        %get3A_514 = tpu.vector_load %arg7[%get3A_511, %get3A_512, %get3A_513] {strides = array<i32>} : memref<2x128x64xf32, #tpu.memory_space<vmem>>, vector<16xf32>,
        %scatter3A_515 = arith.constant 0 : i32
        %scatter3A_516 = arith.constant 0 : i32
        %scatter3A_517 = arith.constant 0 : i32
        %scatter3A_518 = tpu.memref_slice %arg8[%scatter3A_515, %scatter3A_516, %scatter3A_517] : memref<2x64x129xf32, #tpu.memory_space<vmem>> -> memref<1x64x129xf32, #tpu.memory_space<vmem>>
        %scatter3A_519 = tpu.memref_squeeze %scatter3A_518 : memref<1x64x129xf32, #tpu.memory_space<vmem>> -> memref<64x129xf32, #tpu.memory_space<vmem>>
        tpu.vector_store_idx %scatter3A_519[%add3A_12, %broadcast_in_dim3A_509], %get3A_514 : memref<64x129xf32, #tpu.memory_space<vmem>>[vector<16xi32>, vector<16xi32>], vector<16xf32>,
        %get3A_520 = arith.constant 0 : i32
        %get3A_521 = arith.index_cast %get3A_520 : i32 to index
        %get3A_522 = arith.index_cast %add3A_508 : i32 to index
        %get3A_523 = arith.constant 16 : index
        %get3A_524 = tpu.vector_load %arg7[%get3A_521, %get3A_522, %get3A_523] {strides = array<i32>} : memref<2x128x64xf32, #tpu.memory_space<vmem>>, vector<16xf32>,
        %scatter3A_525 = arith.constant 0 : i32
        %scatter3A_526 = arith.constant 0 : i32
        %scatter3A_527 = arith.constant 0 : i32
        %scatter3A_528 = tpu.memref_slice %arg8[%scatter3A_525, %scatter3A_526, %scatter3A_527] : memref<2x64x129xf32, #tpu.memory_space<vmem>> -> memref<1x64x129xf32, #tpu.memory_space<vmem>>
        %scatter3A_529 = tpu.memref_squeeze %scatter3A_528 : memref<1x64x129xf32, #tpu.memory_space<vmem>> -> memref<64x129xf32, #tpu.memory_space<vmem>>
        tpu.vector_store_idx %scatter3A_529[%add3A_15, %broadcast_in_dim3A_509], %get3A_524 : memref<64x129xf32, #tpu.memory_space<vmem>>[vector<16xi32>, vector<16xi32>], vector<16xf32>,
        %get3A_530 = arith.constant 0 : i32
        %get3A_531 = arith.index_cast %get3A_530 : i32 to index
        %get3A_532 = arith.index_cast %add3A_508 : i32 to index
        %get3A_533 = arith.constant 32 : index
        %get3A_534 = tpu.vector_load %arg7[%get3A_531, %get3A_532, %get3A_533] {strides = array<i32>} : memref<2x128x64xf32, #tpu.memory_space<vmem>>, vector<16xf32>,
        %scatter3A_535 = arith.constant 0 : i32
        %scatter3A_536 = arith.constant 0 : i32
        %scatter3A_537 = arith.constant 0 : i32
        %scatter3A_538 = tpu.memref_slice %arg8[%scatter3A_535, %scatter3A_536, %scatter3A_537] : memref<2x64x129xf32, #tpu.memory_space<vmem>> -> memref<1x64x129xf32, #tpu.memory_space<vmem>>
        %scatter3A_539 = tpu.memref_squeeze %scatter3A_538 : memref<1x64x129xf32, #tpu.memory_space<vmem>> -> memref<64x129xf32, #tpu.memory_space<vmem>>
        tpu.vector_store_idx %scatter3A_539[%add3A_18, %broadcast_in_dim3A_509], %get3A_534 : memref<64x129xf32, #tpu.memory_space<vmem>>[vector<16xi32>, vector<16xi32>], vector<16xf32>,
        %get3A_540 = arith.constant 0 : i32
        %get3A_541 = arith.index_cast %get3A_540 : i32 to index
        %get3A_542 = arith.index_cast %add3A_508 : i32 to index
        %get3A_543 = arith.constant 48 : index
        %get3A_544 = tpu.vector_load %arg7[%get3A_541, %get3A_542, %get3A_543] {strides = array<i32>} : memref<2x128x64xf32, #tpu.memory_space<vmem>>, vector<16xf32>,
        %scatter3A_545 = arith.constant 0 : i32
        %scatter3A_546 = arith.constant 0 : i32
        %scatter3A_547 = arith.constant 0 : i32
        %scatter3A_548 = tpu.memref_slice %arg8[%scatter3A_545, %scatter3A_546, %scatter3A_547] : memref<2x64x129xf32, #tpu.memory_space<vmem>> -> memref<1x64x129xf32, #tpu.memory_space<vmem>>
        %scatter3A_549 = tpu.memref_squeeze %scatter3A_548 : memref<1x64x129xf32, #tpu.memory_space<vmem>> -> memref<64x129xf32, #tpu.memory_space<vmem>>
        tpu.vector_store_idx %scatter3A_549[%add3A_21, %broadcast_in_dim3A_509], %get3A_544 : memref<64x129xf32, #tpu.memory_space<vmem>>[vector<16xi32>, vector<16xi32>], vector<16xf32>,
        %add3A_550 = arith.constant 3 : i32
        %add3A_551 = arith.addi %add3A_423, %add3A_550 : i32
        %broadcast_in_dim3A_552 = vector.broadcast %add3A_551 : i32 to vector<16xi32>
        %get3A_553 = arith.constant 0 : i32
        %get3A_554 = arith.index_cast %get3A_553 : i32 to index
        %get3A_555 = arith.index_cast %add3A_551 : i32 to index
        %get3A_556 = arith.constant 0 : index
        %get3A_557 = tpu.vector_load %arg7[%get3A_554, %get3A_555, %get3A_556] {strides = array<i32>} : memref<2x128x64xf32, #tpu.memory_space<vmem>>, vector<16xf32>,
        %scatter3A_558 = arith.constant 0 : i32
        %scatter3A_559 = arith.constant 0 : i32
        %scatter3A_560 = arith.constant 0 : i32
        %scatter3A_561 = tpu.memref_slice %arg8[%scatter3A_558, %scatter3A_559, %scatter3A_560] : memref<2x64x129xf32, #tpu.memory_space<vmem>> -> memref<1x64x129xf32, #tpu.memory_space<vmem>>
        %scatter3A_562 = tpu.memref_squeeze %scatter3A_561 : memref<1x64x129xf32, #tpu.memory_space<vmem>> -> memref<64x129xf32, #tpu.memory_space<vmem>>
        tpu.vector_store_idx %scatter3A_562[%add3A_12, %broadcast_in_dim3A_552], %get3A_557 : memref<64x129xf32, #tpu.memory_space<vmem>>[vector<16xi32>, vector<16xi32>], vector<16xf32>,
        %get3A_563 = arith.constant 0 : i32
        %get3A_564 = arith.index_cast %get3A_563 : i32 to index
        %get3A_565 = arith.index_cast %add3A_551 : i32 to index
        %get3A_566 = arith.constant 16 : index
        %get3A_567 = tpu.vector_load %arg7[%get3A_564, %get3A_565, %get3A_566] {strides = array<i32>} : memref<2x128x64xf32, #tpu.memory_space<vmem>>, vector<16xf32>,
        %scatter3A_568 = arith.constant 0 : i32
        %scatter3A_569 = arith.constant 0 : i32
        %scatter3A_570 = arith.constant 0 : i32
        %scatter3A_571 = tpu.memref_slice %arg8[%scatter3A_568, %scatter3A_569, %scatter3A_570] : memref<2x64x129xf32, #tpu.memory_space<vmem>> -> memref<1x64x129xf32, #tpu.memory_space<vmem>>
        %scatter3A_572 = tpu.memref_squeeze %scatter3A_571 : memref<1x64x129xf32, #tpu.memory_space<vmem>> -> memref<64x129xf32, #tpu.memory_space<vmem>>
        tpu.vector_store_idx %scatter3A_572[%add3A_15, %broadcast_in_dim3A_552], %get3A_567 : memref<64x129xf32, #tpu.memory_space<vmem>>[vector<16xi32>, vector<16xi32>], vector<16xf32>,
        %get3A_573 = arith.constant 0 : i32
        %get3A_574 = arith.index_cast %get3A_573 : i32 to index
        %get3A_575 = arith.index_cast %add3A_551 : i32 to index
        %get3A_576 = arith.constant 32 : index
        %get3A_577 = tpu.vector_load %arg7[%get3A_574, %get3A_575, %get3A_576] {strides = array<i32>} : memref<2x128x64xf32, #tpu.memory_space<vmem>>, vector<16xf32>,
        %scatter3A_578 = arith.constant 0 : i32
        %scatter3A_579 = arith.constant 0 : i32
        %scatter3A_580 = arith.constant 0 : i32
        %scatter3A_581 = tpu.memref_slice %arg8[%scatter3A_578, %scatter3A_579, %scatter3A_580] : memref<2x64x129xf32, #tpu.memory_space<vmem>> -> memref<1x64x129xf32, #tpu.memory_space<vmem>>
        %scatter3A_582 = tpu.memref_squeeze %scatter3A_581 : memref<1x64x129xf32, #tpu.memory_space<vmem>> -> memref<64x129xf32, #tpu.memory_space<vmem>>
        tpu.vector_store_idx %scatter3A_582[%add3A_18, %broadcast_in_dim3A_552], %get3A_577 : memref<64x129xf32, #tpu.memory_space<vmem>>[vector<16xi32>, vector<16xi32>], vector<16xf32>,
        %get3A_583 = arith.constant 0 : i32
        %get3A_584 = arith.index_cast %get3A_583 : i32 to index
        %get3A_585 = arith.index_cast %add3A_551 : i32 to index
        %get3A_586 = arith.constant 48 : index
        %get3A_587 = tpu.vector_load %arg7[%get3A_584, %get3A_585, %get3A_586] {strides = array<i32>} : memref<2x128x64xf32, #tpu.memory_space<vmem>>, vector<16xf32>,
        %scatter3A_588 = arith.constant 0 : i32
        %scatter3A_589 = arith.constant 0 : i32
        %scatter3A_590 = arith.constant 0 : i32
        %scatter3A_591 = tpu.memref_slice %arg8[%scatter3A_588, %scatter3A_589, %scatter3A_590] : memref<2x64x129xf32, #tpu.memory_space<vmem>> -> memref<1x64x129xf32, #tpu.memory_space<vmem>>
        %scatter3A_592 = tpu.memref_squeeze %scatter3A_591 : memref<1x64x129xf32, #tpu.memory_space<vmem>> -> memref<64x129xf32, #tpu.memory_space<vmem>>
        tpu.vector_store_idx %scatter3A_592[%add3A_21, %broadcast_in_dim3A_552], %get3A_587 : memref<64x129xf32, #tpu.memory_space<vmem>>[vector<16xi32>, vector<16xi32>], vector<16xf32>,
      }
      %scan3A_93 = arith.constant 32 : i32
      %dma_start3A_94 = arith.constant 0 : i32
      %dma_start3A_95 = arith.constant 0 : i32
      %dma_start3A_96 = arith.constant 0 : i32
      %dma_start3A_97 = arith.constant 0 : i32
      %dma_start3A_98 = tpu.memref_slice %arg8[%dma_start3A_94, %dma_start3A_96, %dma_start3A_97] : memref<2x64x129xf32, #tpu.memory_space<vmem>> -> memref<1x8x128xf32, #tpu.memory_space<vmem>>
      %dma_start3A_99 = tpu.memref_squeeze %dma_start3A_98 : memref<1x8x128xf32, #tpu.memory_space<vmem>> -> memref<8x128xf32, #tpu.memory_space<vmem>>
      %dma_start3A_100 = arith.constant 0 : i32
      %dma_start3A_101 = arith.constant 0 : i32
      %dma_start3A_102 = tpu.memref_slice %arg4[%add3A_75, %dma_start3A_95, %add3A, %dma_start3A_100, %dma_start3A_101] : memref<50x8x32x8x128xf32, #tpu.memory_space<hbm>> -> memref<1x1x1x8x128xf32, #tpu.memory_space<hbm>>
      %dma_start3A_103 = tpu.memref_squeeze %dma_start3A_102 : memref<1x1x1x8x128xf32, #tpu.memory_space<hbm>> -> memref<8x128xf32, #tpu.memory_space<hbm>>
      %dma_start3A_104 = arith.constant 0 : i32
      %dma_start3A_105 = arith.constant 0 : i32
      %dma_start3A_106 = tpu.memref_slice %arg4[%add3A_75, %dma_start3A_95, %add3A, %dma_start3A_104, %dma_start3A_105] : memref<50x8x32x8x128xf32, #tpu.memory_space<hbm>> -> memref<1x1x1x8x128xf32, #tpu.memory_space<hbm>>
      %dma_start3A_107 = tpu.memref_squeeze %dma_start3A_106 : memref<1x1x1x8x128xf32, #tpu.memory_space<hbm>> -> memref<8x128xf32, #tpu.memory_space<hbm>>
      %dma_start3A_108 = arith.constant 0 : i32
      %dma_start3A_109 = arith.constant 0 : i32
      %dma_start3A_110 = tpu.memref_slice %arg8[%dma_start3A_94, %dma_start3A_108, %dma_start3A_109] : memref<2x64x129xf32, #tpu.memory_space<vmem>> -> memref<1x8x128xf32, #tpu.memory_space<vmem>>
      %dma_start3A_111 = tpu.memref_squeeze %dma_start3A_110 : memref<1x8x128xf32, #tpu.memory_space<vmem>> -> memref<8x128xf32, #tpu.memory_space<vmem>>
      tpu.enqueue_dma source(%dma_start3A_111 : memref<8x128xf32, #tpu.memory_space<vmem>>) target(%dma_start3A_107 : memref<8x128xf32, #tpu.memory_space<hbm>>) target_semaphore(%arg12 : memref<!tpu.dma_semaphore, #tpu.memory_space<semaphore_mem>>)
      %dma_start3A_112 = arith.constant 0 : i32
      %dma_start3A_113 = arith.constant 1 : i32
      %dma_start3A_114 = arith.constant 8 : i32
      %dma_start3A_115 = arith.constant 0 : i32
      %dma_start3A_116 = tpu.memref_slice %arg8[%dma_start3A_112, %dma_start3A_114, %dma_start3A_115] : memref<2x64x129xf32, #tpu.memory_space<vmem>> -> memref<1x8x128xf32, #tpu.memory_space<vmem>>
      %dma_start3A_117 = tpu.memref_squeeze %dma_start3A_116 : memref<1x8x128xf32, #tpu.memory_space<vmem>> -> memref<8x128xf32, #tpu.memory_space<vmem>>
      %dma_start3A_118 = arith.constant 0 : i32
      %dma_start3A_119 = arith.constant 0 : i32
      %dma_start3A_120 = tpu.memref_slice %arg4[%add3A_75, %dma_start3A_113, %add3A, %dma_start3A_118, %dma_start3A_119] : memref<50x8x32x8x128xf32, #tpu.memory_space<hbm>> -> memref<1x1x1x8x128xf32, #tpu.memory_space<hbm>>
      %dma_start3A_121 = tpu.memref_squeeze %dma_start3A_120 : memref<1x1x1x8x128xf32, #tpu.memory_space<hbm>> -> memref<8x128xf32, #tpu.memory_space<hbm>>
      %dma_start3A_122 = arith.constant 0 : i32
      %dma_start3A_123 = arith.constant 0 : i32
      %dma_start3A_124 = tpu.memref_slice %arg4[%add3A_75, %dma_start3A_113, %add3A, %dma_start3A_122, %dma_start3A_123] : memref<50x8x32x8x128xf32, #tpu.memory_space<hbm>> -> memref<1x1x1x8x128xf32, #tpu.memory_space<hbm>>
      %dma_start3A_125 = tpu.memref_squeeze %dma_start3A_124 : memref<1x1x1x8x128xf32, #tpu.memory_space<hbm>> -> memref<8x128xf32, #tpu.memory_space<hbm>>
      %dma_start3A_126 = arith.constant 8 : i32
      %dma_start3A_127 = arith.constant 0 : i32
      %dma_start3A_128 = tpu.memref_slice %arg8[%dma_start3A_112, %dma_start3A_126, %dma_start3A_127] : memref<2x64x129xf32, #tpu.memory_space<vmem>> -> memref<1x8x128xf32, #tpu.memory_space<vmem>>
      %dma_start3A_129 = tpu.memref_squeeze %dma_start3A_128 : memref<1x8x128xf32, #tpu.memory_space<vmem>> -> memref<8x128xf32, #tpu.memory_space<vmem>>
      tpu.enqueue_dma source(%dma_start3A_129 : memref<8x128xf32, #tpu.memory_space<vmem>>) target(%dma_start3A_125 : memref<8x128xf32, #tpu.memory_space<hbm>>) target_semaphore(%arg12 : memref<!tpu.dma_semaphore, #tpu.memory_space<semaphore_mem>>)
      %dma_start3A_130 = arith.constant 0 : i32
      %dma_start3A_131 = arith.constant 2 : i32
      %dma_start3A_132 = arith.constant 16 : i32
      %dma_start3A_133 = arith.constant 0 : i32
      %dma_start3A_134 = tpu.memref_slice %arg8[%dma_start3A_130, %dma_start3A_132, %dma_start3A_133] : memref<2x64x129xf32, #tpu.memory_space<vmem>> -> memref<1x8x128xf32, #tpu.memory_space<vmem>>
      %dma_start3A_135 = tpu.memref_squeeze %dma_start3A_134 : memref<1x8x128xf32, #tpu.memory_space<vmem>> -> memref<8x128xf32, #tpu.memory_space<vmem>>
      %dma_start3A_136 = arith.constant 0 : i32
      %dma_start3A_137 = arith.constant 0 : i32
      %dma_start3A_138 = tpu.memref_slice %arg4[%add3A_75, %dma_start3A_131, %add3A, %dma_start3A_136, %dma_start3A_137] : memref<50x8x32x8x128xf32, #tpu.memory_space<hbm>> -> memref<1x1x1x8x128xf32, #tpu.memory_space<hbm>>
      %dma_start3A_139 = tpu.memref_squeeze %dma_start3A_138 : memref<1x1x1x8x128xf32, #tpu.memory_space<hbm>> -> memref<8x128xf32, #tpu.memory_space<hbm>>
      %dma_start3A_140 = arith.constant 0 : i32
      %dma_start3A_141 = arith.constant 0 : i32
      %dma_start3A_142 = tpu.memref_slice %arg4[%add3A_75, %dma_start3A_131, %add3A, %dma_start3A_140, %dma_start3A_141] : memref<50x8x32x8x128xf32, #tpu.memory_space<hbm>> -> memref<1x1x1x8x128xf32, #tpu.memory_space<hbm>>
      %dma_start3A_143 = tpu.memref_squeeze %dma_start3A_142 : memref<1x1x1x8x128xf32, #tpu.memory_space<hbm>> -> memref<8x128xf32, #tpu.memory_space<hbm>>
      %dma_start3A_144 = arith.constant 16 : i32
      %dma_start3A_145 = arith.constant 0 : i32
      %dma_start3A_146 = tpu.memref_slice %arg8[%dma_start3A_130, %dma_start3A_144, %dma_start3A_145] : memref<2x64x129xf32, #tpu.memory_space<vmem>> -> memref<1x8x128xf32, #tpu.memory_space<vmem>>
      %dma_start3A_147 = tpu.memref_squeeze %dma_start3A_146 : memref<1x8x128xf32, #tpu.memory_space<vmem>> -> memref<8x128xf32, #tpu.memory_space<vmem>>
      tpu.enqueue_dma source(%dma_start3A_147 : memref<8x128xf32, #tpu.memory_space<vmem>>) target(%dma_start3A_143 : memref<8x128xf32, #tpu.memory_space<hbm>>) target_semaphore(%arg12 : memref<!tpu.dma_semaphore, #tpu.memory_space<semaphore_mem>>)
      %dma_start3A_148 = arith.constant 0 : i32
      %dma_start3A_149 = arith.constant 3 : i32
      %dma_start3A_150 = arith.constant 24 : i32
      %dma_start3A_151 = arith.constant 0 : i32
      %dma_start3A_152 = tpu.memref_slice %arg8[%dma_start3A_148, %dma_start3A_150, %dma_start3A_151] : memref<2x64x129xf32, #tpu.memory_space<vmem>> -> memref<1x8x128xf32, #tpu.memory_space<vmem>>
      %dma_start3A_153 = tpu.memref_squeeze %dma_start3A_152 : memref<1x8x128xf32, #tpu.memory_space<vmem>> -> memref<8x128xf32, #tpu.memory_space<vmem>>
      %dma_start3A_154 = arith.constant 0 : i32
      %dma_start3A_155 = arith.constant 0 : i32
      %dma_start3A_156 = tpu.memref_slice %arg4[%add3A_75, %dma_start3A_149, %add3A, %dma_start3A_154, %dma_start3A_155] : memref<50x8x32x8x128xf32, #tpu.memory_space<hbm>> -> memref<1x1x1x8x128xf32, #tpu.memory_space<hbm>>
      %dma_start3A_157 = tpu.memref_squeeze %dma_start3A_156 : memref<1x1x1x8x128xf32, #tpu.memory_space<hbm>> -> memref<8x128xf32, #tpu.memory_space<hbm>>
      %dma_start3A_158 = arith.constant 0 : i32
      %dma_start3A_159 = arith.constant 0 : i32
      %dma_start3A_160 = tpu.memref_slice %arg4[%add3A_75, %dma_start3A_149, %add3A, %dma_start3A_158, %dma_start3A_159] : memref<50x8x32x8x128xf32, #tpu.memory_space<hbm>> -> memref<1x1x1x8x128xf32, #tpu.memory_space<hbm>>
      %dma_start3A_161 = tpu.memref_squeeze %dma_start3A_160 : memref<1x1x1x8x128xf32, #tpu.memory_space<hbm>> -> memref<8x128xf32, #tpu.memory_space<hbm>>
      %dma_start3A_162 = arith.constant 24 : i32
      %dma_start3A_163 = arith.constant 0 : i32
      %dma_start3A_164 = tpu.memref_slice %arg8[%dma_start3A_148, %dma_start3A_162, %dma_start3A_163] : memref<2x64x129xf32, #tpu.memory_space<vmem>> -> memref<1x8x128xf32, #tpu.memory_space<vmem>>
      %dma_start3A_165 = tpu.memref_squeeze %dma_start3A_164 : memref<1x8x128xf32, #tpu.memory_space<vmem>> -> memref<8x128xf32, #tpu.memory_space<vmem>>
      tpu.enqueue_dma source(%dma_start3A_165 : memref<8x128xf32, #tpu.memory_space<vmem>>) target(%dma_start3A_161 : memref<8x128xf32, #tpu.memory_space<hbm>>) target_semaphore(%arg12 : memref<!tpu.dma_semaphore, #tpu.memory_space<semaphore_mem>>)
      %dma_start3A_166 = arith.constant 0 : i32
      %dma_start3A_167 = arith.constant 4 : i32
      %dma_start3A_168 = arith.constant 32 : i32
      %dma_start3A_169 = arith.constant 0 : i32
      %dma_start3A_170 = tpu.memref_slice %arg8[%dma_start3A_166, %dma_start3A_168, %dma_start3A_169] : memref<2x64x129xf32, #tpu.memory_space<vmem>> -> memref<1x8x128xf32, #tpu.memory_space<vmem>>
      %dma_start3A_171 = tpu.memref_squeeze %dma_start3A_170 : memref<1x8x128xf32, #tpu.memory_space<vmem>> -> memref<8x128xf32, #tpu.memory_space<vmem>>
      %dma_start3A_172 = arith.constant 0 : i32
      %dma_start3A_173 = arith.constant 0 : i32
      %dma_start3A_174 = tpu.memref_slice %arg4[%add3A_75, %dma_start3A_167, %add3A, %dma_start3A_172, %dma_start3A_173] : memref<50x8x32x8x128xf32, #tpu.memory_space<hbm>> -> memref<1x1x1x8x128xf32, #tpu.memory_space<hbm>>
      %dma_start3A_175 = tpu.memref_squeeze %dma_start3A_174 : memref<1x1x1x8x128xf32, #tpu.memory_space<hbm>> -> memref<8x128xf32, #tpu.memory_space<hbm>>
      %dma_start3A_176 = arith.constant 0 : i32
      %dma_start3A_177 = arith.constant 0 : i32
      %dma_start3A_178 = tpu.memref_slice %arg4[%add3A_75, %dma_start3A_167, %add3A, %dma_start3A_176, %dma_start3A_177] : memref<50x8x32x8x128xf32, #tpu.memory_space<hbm>> -> memref<1x1x1x8x128xf32, #tpu.memory_space<hbm>>
      %dma_start3A_179 = tpu.memref_squeeze %dma_start3A_178 : memref<1x1x1x8x128xf32, #tpu.memory_space<hbm>> -> memref<8x128xf32, #tpu.memory_space<hbm>>
      %dma_start3A_180 = arith.constant 32 : i32
      %dma_start3A_181 = arith.constant 0 : i32
      %dma_start3A_182 = tpu.memref_slice %arg8[%dma_start3A_166, %dma_start3A_180, %dma_start3A_181] : memref<2x64x129xf32, #tpu.memory_space<vmem>> -> memref<1x8x128xf32, #tpu.memory_space<vmem>>
      %dma_start3A_183 = tpu.memref_squeeze %dma_start3A_182 : memref<1x8x128xf32, #tpu.memory_space<vmem>> -> memref<8x128xf32, #tpu.memory_space<vmem>>
      tpu.enqueue_dma source(%dma_start3A_183 : memref<8x128xf32, #tpu.memory_space<vmem>>) target(%dma_start3A_179 : memref<8x128xf32, #tpu.memory_space<hbm>>) target_semaphore(%arg12 : memref<!tpu.dma_semaphore, #tpu.memory_space<semaphore_mem>>)
      %dma_start3A_184 = arith.constant 0 : i32
      %dma_start3A_185 = arith.constant 5 : i32
      %dma_start3A_186 = arith.constant 40 : i32
      %dma_start3A_187 = arith.constant 0 : i32
      %dma_start3A_188 = tpu.memref_slice %arg8[%dma_start3A_184, %dma_start3A_186, %dma_start3A_187] : memref<2x64x129xf32, #tpu.memory_space<vmem>> -> memref<1x8x128xf32, #tpu.memory_space<vmem>>
      %dma_start3A_189 = tpu.memref_squeeze %dma_start3A_188 : memref<1x8x128xf32, #tpu.memory_space<vmem>> -> memref<8x128xf32, #tpu.memory_space<vmem>>
      %dma_start3A_190 = arith.constant 0 : i32
      %dma_start3A_191 = arith.constant 0 : i32
      %dma_start3A_192 = tpu.memref_slice %arg4[%add3A_75, %dma_start3A_185, %add3A, %dma_start3A_190, %dma_start3A_191] : memref<50x8x32x8x128xf32, #tpu.memory_space<hbm>> -> memref<1x1x1x8x128xf32, #tpu.memory_space<hbm>>
      %dma_start3A_193 = tpu.memref_squeeze %dma_start3A_192 : memref<1x1x1x8x128xf32, #tpu.memory_space<hbm>> -> memref<8x128xf32, #tpu.memory_space<hbm>>
      %dma_start3A_194 = arith.constant 0 : i32
      %dma_start3A_195 = arith.constant 0 : i32
      %dma_start3A_196 = tpu.memref_slice %arg4[%add3A_75, %dma_start3A_185, %add3A, %dma_start3A_194, %dma_start3A_195] : memref<50x8x32x8x128xf32, #tpu.memory_space<hbm>> -> memref<1x1x1x8x128xf32, #tpu.memory_space<hbm>>
      %dma_start3A_197 = tpu.memref_squeeze %dma_start3A_196 : memref<1x1x1x8x128xf32, #tpu.memory_space<hbm>> -> memref<8x128xf32, #tpu.memory_space<hbm>>
      %dma_start3A_198 = arith.constant 40 : i32
      %dma_start3A_199 = arith.constant 0 : i32
      %dma_start3A_200 = tpu.memref_slice %arg8[%dma_start3A_184, %dma_start3A_198, %dma_start3A_199] : memref<2x64x129xf32, #tpu.memory_space<vmem>> -> memref<1x8x128xf32, #tpu.memory_space<vmem>>
      %dma_start3A_201 = tpu.memref_squeeze %dma_start3A_200 : memref<1x8x128xf32, #tpu.memory_space<vmem>> -> memref<8x128xf32, #tpu.memory_space<vmem>>
      tpu.enqueue_dma source(%dma_start3A_201 : memref<8x128xf32, #tpu.memory_space<vmem>>) target(%dma_start3A_197 : memref<8x128xf32, #tpu.memory_space<hbm>>) target_semaphore(%arg12 : memref<!tpu.dma_semaphore, #tpu.memory_space<semaphore_mem>>)
      %dma_start3A_202 = arith.constant 0 : i32
      %dma_start3A_203 = arith.constant 6 : i32
      %dma_start3A_204 = arith.constant 48 : i32
      %dma_start3A_205 = arith.constant 0 : i32
      %dma_start3A_206 = tpu.memref_slice %arg8[%dma_start3A_202, %dma_start3A_204, %dma_start3A_205] : memref<2x64x129xf32, #tpu.memory_space<vmem>> -> memref<1x8x128xf32, #tpu.memory_space<vmem>>
      %dma_start3A_207 = tpu.memref_squeeze %dma_start3A_206 : memref<1x8x128xf32, #tpu.memory_space<vmem>> -> memref<8x128xf32, #tpu.memory_space<vmem>>
      %dma_start3A_208 = arith.constant 0 : i32
      %dma_start3A_209 = arith.constant 0 : i32
      %dma_start3A_210 = tpu.memref_slice %arg4[%add3A_75, %dma_start3A_203, %add3A, %dma_start3A_208, %dma_start3A_209] : memref<50x8x32x8x128xf32, #tpu.memory_space<hbm>> -> memref<1x1x1x8x128xf32, #tpu.memory_space<hbm>>
      %dma_start3A_211 = tpu.memref_squeeze %dma_start3A_210 : memref<1x1x1x8x128xf32, #tpu.memory_space<hbm>> -> memref<8x128xf32, #tpu.memory_space<hbm>>
      %dma_start3A_212 = arith.constant 0 : i32
      %dma_start3A_213 = arith.constant 0 : i32
      %dma_start3A_214 = tpu.memref_slice %arg4[%add3A_75, %dma_start3A_203, %add3A, %dma_start3A_212, %dma_start3A_213] : memref<50x8x32x8x128xf32, #tpu.memory_space<hbm>> -> memref<1x1x1x8x128xf32, #tpu.memory_space<hbm>>
      %dma_start3A_215 = tpu.memref_squeeze %dma_start3A_214 : memref<1x1x1x8x128xf32, #tpu.memory_space<hbm>> -> memref<8x128xf32, #tpu.memory_space<hbm>>
      %dma_start3A_216 = arith.constant 48 : i32
      %dma_start3A_217 = arith.constant 0 : i32
      %dma_start3A_218 = tpu.memref_slice %arg8[%dma_start3A_202, %dma_start3A_216, %dma_start3A_217] : memref<2x64x129xf32, #tpu.memory_space<vmem>> -> memref<1x8x128xf32, #tpu.memory_space<vmem>>
      %dma_start3A_219 = tpu.memref_squeeze %dma_start3A_218 : memref<1x8x128xf32, #tpu.memory_space<vmem>> -> memref<8x128xf32, #tpu.memory_space<vmem>>
      tpu.enqueue_dma source(%dma_start3A_219 : memref<8x128xf32, #tpu.memory_space<vmem>>) target(%dma_start3A_215 : memref<8x128xf32, #tpu.memory_space<hbm>>) target_semaphore(%arg12 : memref<!tpu.dma_semaphore, #tpu.memory_space<semaphore_mem>>)
      %dma_start3A_220 = arith.constant 0 : i32
      %dma_start3A_221 = arith.constant 7 : i32
      %dma_start3A_222 = arith.constant 56 : i32
      %dma_start3A_223 = arith.constant 0 : i32
      %dma_start3A_224 = tpu.memref_slice %arg8[%dma_start3A_220, %dma_start3A_222, %dma_start3A_223] : memref<2x64x129xf32, #tpu.memory_space<vmem>> -> memref<1x8x128xf32, #tpu.memory_space<vmem>>
      %dma_start3A_225 = tpu.memref_squeeze %dma_start3A_224 : memref<1x8x128xf32, #tpu.memory_space<vmem>> -> memref<8x128xf32, #tpu.memory_space<vmem>>
      %dma_start3A_226 = arith.constant 0 : i32
      %dma_start3A_227 = arith.constant 0 : i32
      %dma_start3A_228 = tpu.memref_slice %arg4[%add3A_75, %dma_start3A_221, %add3A, %dma_start3A_226, %dma_start3A_227] : memref<50x8x32x8x128xf32, #tpu.memory_space<hbm>> -> memref<1x1x1x8x128xf32, #tpu.memory_space<hbm>>
      %dma_start3A_229 = tpu.memref_squeeze %dma_start3A_228 : memref<1x1x1x8x128xf32, #tpu.memory_space<hbm>> -> memref<8x128xf32, #tpu.memory_space<hbm>>
      %dma_start3A_230 = arith.constant 0 : i32
      %dma_start3A_231 = arith.constant 0 : i32
      %dma_start3A_232 = tpu.memref_slice %arg4[%add3A_75, %dma_start3A_221, %add3A, %dma_start3A_230, %dma_start3A_231] : memref<50x8x32x8x128xf32, #tpu.memory_space<hbm>> -> memref<1x1x1x8x128xf32, #tpu.memory_space<hbm>>
      %dma_start3A_233 = tpu.memref_squeeze %dma_start3A_232 : memref<1x1x1x8x128xf32, #tpu.memory_space<hbm>> -> memref<8x128xf32, #tpu.memory_space<hbm>>
      %dma_start3A_234 = arith.constant 56 : i32
      %dma_start3A_235 = arith.constant 0 : i32
      %dma_start3A_236 = tpu.memref_slice %arg8[%dma_start3A_220, %dma_start3A_234, %dma_start3A_235] : memref<2x64x129xf32, #tpu.memory_space<vmem>> -> memref<1x8x128xf32, #tpu.memory_space<vmem>>
      %dma_start3A_237 = tpu.memref_squeeze %dma_start3A_236 : memref<1x8x128xf32, #tpu.memory_space<vmem>> -> memref<8x128xf32, #tpu.memory_space<vmem>>
      tpu.enqueue_dma source(%dma_start3A_237 : memref<8x128xf32, #tpu.memory_space<vmem>>) target(%dma_start3A_233 : memref<8x128xf32, #tpu.memory_space<hbm>>) target_semaphore(%arg12 : memref<!tpu.dma_semaphore, #tpu.memory_space<semaphore_mem>>)
      %add3A_238 = arith.constant 2 : i32
      %add3A_239 = arith.addi %add3A_75, %add3A_238 : i32
      %lt3A_240 = arith.constant 50 : i32
      %lt3A_241 = arith.cmpi slt, %add3A_239, %lt3A_240 : i32
      %convert_element_type3A_242 = arith.extui %lt3A_241 : i1 to i32
      %cond3A_243 = arith.constant 0 : i32
      %cond3A_244 = arith.cmpi ne, %convert_element_type3A_242, %cond3A_243 : i32
      scf.if %cond3A_244 {
        %add3A_419 = arith.constant 2 : i32
        %add3A_420 = arith.addi %add3A_75, %add3A_419 : i32
        %dma_start3A_421 = arith.constant 0 : i32
        %dma_start3A_422 = arith.constant 0 : i32
        %dma_start3A_423 = arith.constant 0 : i32
        %dma_start3A_424 = tpu.memref_slice %arg7[%dma_start3A_421, %dma_start3A_422, %dma_start3A_423] : memref<2x128x64xf32, #tpu.memory_space<vmem>> -> memref<1x128x64xf32, #tpu.memory_space<vmem>>
        %dma_start3A_425 = tpu.memref_squeeze %dma_start3A_424 : memref<1x128x64xf32, #tpu.memory_space<vmem>> -> memref<128x64xf32, #tpu.memory_space<vmem>>
        %dma_start3A_426 = arith.constant 0 : i32
        %dma_start3A_427 = tpu.memref_slice %arg6[%add3A_420, %dma_start3A_426] : memref<50x129xi32, #tpu.memory_space<vmem>> -> memref<1x128xi32, #tpu.memory_space<vmem>>
        %dma_start3A_428 = tpu.memref_squeeze %dma_start3A_427 : memref<1x128xi32, #tpu.memory_space<vmem>> -> memref<128xi32, #tpu.memory_space<vmem>>
        %dma_start3A_429 = arith.constant 0 : i32
        %dma_start3A_430 = arith.constant 0 : i32
        %dma_start3A_431 = tpu.memref_slice %arg3[%dma_start3A_429, %dma_start3A_430] : memref<1000000x64xf32, #tpu.memory_space<hbm>> -> memref<1000000x64xf32, #tpu.memory_space<hbm>>
        tpu.enqueue_indirect_dma source(%dma_start3A_431 : memref<1000000x64xf32, #tpu.memory_space<hbm>>) target(%dma_start3A_425 : memref<128x64xf32, #tpu.memory_space<vmem>>) offsets(%dma_start3A_428 : memref<128xi32, #tpu.memory_space<vmem>>) semaphore(%arg10 : memref<!tpu.dma_semaphore, #tpu.memory_space<semaphore_mem>>)
      } else {
      }
      %add3A_245 = arith.constant 1 : i32
      %add3A_246 = arith.addi %add3A_75, %add3A_245 : i32
      %ge3A_247 = arith.constant 2 : i32
      %ge3A_248 = arith.cmpi sge, %add3A_246, %ge3A_247 : i32
      %convert_element_type3A_249 = arith.extui %ge3A_248 : i1 to i32
      %cond3A_250 = arith.constant 0 : i32
      %cond3A_251 = arith.cmpi ne, %convert_element_type3A_249, %cond3A_250 : i32
      scf.if %cond3A_251 {
        %sub3A = arith.constant 2 : i32
        %sub3A_419 = arith.subi %add3A_246, %sub3A : i32
        %dma_wait3A_420 = arith.constant 0 : i32
        %dma_wait3A_421 = arith.constant 0 : i32
        %dma_wait3A_422 = arith.constant 0 : i32
        %dma_wait3A_423 = tpu.memref_slice %arg4[%sub3A_419, %dma_wait3A_420, %add3A, %dma_wait3A_421, %dma_wait3A_422] : memref<50x8x32x8x128xf32, #tpu.memory_space<hbm>> -> memref<1x8x1x8x128xf32, #tpu.memory_space<hbm>>
        %dma_wait3A_424 = tpu.memref_squeeze %dma_wait3A_423 : memref<1x8x1x8x128xf32, #tpu.memory_space<hbm>> -> memref<8x8x128xf32, #tpu.memory_space<hbm>>
        %dma_wait3A_425 = arith.constant 0 : i32
        %dma_wait3A_426 = arith.constant 0 : i32
        %dma_wait3A_427 = arith.constant 0 : i32
        %dma_wait3A_428 = tpu.memref_slice %arg4[%sub3A_419, %dma_wait3A_425, %add3A, %dma_wait3A_426, %dma_wait3A_427] : memref<50x8x32x8x128xf32, #tpu.memory_space<hbm>> -> memref<1x8x1x8x128xf32, #tpu.memory_space<hbm>>
        %dma_wait3A_429 = tpu.memref_squeeze %dma_wait3A_428 : memref<1x8x1x8x128xf32, #tpu.memory_space<hbm>> -> memref<8x8x128xf32, #tpu.memory_space<hbm>>
        tpu.wait_dma2 semaphore(%arg13 : memref<!tpu.dma_semaphore, #tpu.memory_space<semaphore_mem>>) src(%dma_wait3A_429 : memref<8x8x128xf32, #tpu.memory_space<hbm>>) dst(%arg9 : memref<8x8x128xf32, #tpu.memory_space<vmem>>)
      } else {
      }
      %dma_wait3A_252 = arith.constant 1 : i32
      %dma_wait3A_253 = arith.constant 0 : i32
      %dma_wait3A_254 = arith.constant 0 : i32
      %dma_wait3A_255 = tpu.memref_slice %arg7[%dma_wait3A_252, %dma_wait3A_253, %dma_wait3A_254] : memref<2x128x64xf32, #tpu.memory_space<vmem>> -> memref<1x128x64xf32, #tpu.memory_space<vmem>>
      %dma_wait3A_256 = tpu.memref_squeeze %dma_wait3A_255 : memref<1x128x64xf32, #tpu.memory_space<vmem>> -> memref<128x64xf32, #tpu.memory_space<vmem>>
      %dma_wait3A_257 = arith.constant 0 : i32
      %dma_wait3A_258 = tpu.memref_slice %arg6[%add3A_246, %dma_wait3A_257] : memref<50x129xi32, #tpu.memory_space<vmem>> -> memref<1x128xi32, #tpu.memory_space<vmem>>
      %dma_wait3A_259 = tpu.memref_squeeze %dma_wait3A_258 : memref<1x128xi32, #tpu.memory_space<vmem>> -> memref<128xi32, #tpu.memory_space<vmem>>
      %dma_wait3A_260 = arith.constant 0 : i32
      %dma_wait3A_261 = arith.constant 0 : i32
      %dma_wait3A_262 = tpu.memref_slice %arg3[%dma_wait3A_260, %dma_wait3A_261] : memref<1000000x64xf32, #tpu.memory_space<hbm>> -> memref<1000000x64xf32, #tpu.memory_space<hbm>>
      tpu.wait_indirect_dma semaphore(%arg11 : memref<!tpu.dma_semaphore, #tpu.memory_space<semaphore_mem>>) src(%dma_wait3A_262 : memref<1000000x64xf32, #tpu.memory_space<hbm>>) dst(%dma_wait3A_256 : memref<128x64xf32, #tpu.memory_space<vmem>>)
      %scan3A_263 = arith.constant 0 : i32
      %scan3A_264 = arith.constant 32 : i32
      %scan3A_265 = arith.addi %scan3A_263, %scan3A_264 : i32
      %scan3A_266 = arith.constant 1 : i32
      scf.for %scan3A_419 = %scan3A_263 to %scan3A_265 step %scan3A_266  : i32 {
        %mul3A_420 = arith.constant 4 : i32
        %mul3A_421 = arith.muli %scan3A_419, %mul3A_420 : i32
        %add3A_422 = arith.constant 0 : i32
        %add3A_423 = arith.addi %add3A_422, %mul3A_421 : i32
        %add3A_424 = arith.constant 0 : i32
        %add3A_425 = arith.addi %add3A_423, %add3A_424 : i32
        %broadcast_in_dim3A = vector.broadcast %add3A_425 : i32 to vector<16xi32>
        %get3A = arith.constant 1 : i32
        %get3A_426 = arith.index_cast %get3A : i32 to index
        %get3A_427 = arith.index_cast %add3A_425 : i32 to index
        %get3A_428 = arith.constant 0 : index
        %get3A_429 = tpu.vector_load %arg7[%get3A_426, %get3A_427, %get3A_428] {strides = array<i32>} : memref<2x128x64xf32, #tpu.memory_space<vmem>>, vector<16xf32>,
        %scatter3A = arith.constant 1 : i32
        %scatter3A_430 = arith.constant 0 : i32
        %scatter3A_431 = arith.constant 0 : i32
        %scatter3A_432 = tpu.memref_slice %arg8[%scatter3A, %scatter3A_430, %scatter3A_431] : memref<2x64x129xf32, #tpu.memory_space<vmem>> -> memref<1x64x129xf32, #tpu.memory_space<vmem>>
        %scatter3A_433 = tpu.memref_squeeze %scatter3A_432 : memref<1x64x129xf32, #tpu.memory_space<vmem>> -> memref<64x129xf32, #tpu.memory_space<vmem>>
        tpu.vector_store_idx %scatter3A_433[%add3A_12, %broadcast_in_dim3A], %get3A_429 : memref<64x129xf32, #tpu.memory_space<vmem>>[vector<16xi32>, vector<16xi32>], vector<16xf32>,
        %get3A_434 = arith.constant 1 : i32
        %get3A_435 = arith.index_cast %get3A_434 : i32 to index
        %get3A_436 = arith.index_cast %add3A_425 : i32 to index
        %get3A_437 = arith.constant 16 : index
        %get3A_438 = tpu.vector_load %arg7[%get3A_435, %get3A_436, %get3A_437] {strides = array<i32>} : memref<2x128x64xf32, #tpu.memory_space<vmem>>, vector<16xf32>,
        %scatter3A_439 = arith.constant 1 : i32
        %scatter3A_440 = arith.constant 0 : i32
        %scatter3A_441 = arith.constant 0 : i32
        %scatter3A_442 = tpu.memref_slice %arg8[%scatter3A_439, %scatter3A_440, %scatter3A_441] : memref<2x64x129xf32, #tpu.memory_space<vmem>> -> memref<1x64x129xf32, #tpu.memory_space<vmem>>
        %scatter3A_443 = tpu.memref_squeeze %scatter3A_442 : memref<1x64x129xf32, #tpu.memory_space<vmem>> -> memref<64x129xf32, #tpu.memory_space<vmem>>
        tpu.vector_store_idx %scatter3A_443[%add3A_15, %broadcast_in_dim3A], %get3A_438 : memref<64x129xf32, #tpu.memory_space<vmem>>[vector<16xi32>, vector<16xi32>], vector<16xf32>,
        %get3A_444 = arith.constant 1 : i32
        %get3A_445 = arith.index_cast %get3A_444 : i32 to index
        %get3A_446 = arith.index_cast %add3A_425 : i32 to index
        %get3A_447 = arith.constant 32 : index
        %get3A_448 = tpu.vector_load %arg7[%get3A_445, %get3A_446, %get3A_447] {strides = array<i32>} : memref<2x128x64xf32, #tpu.memory_space<vmem>>, vector<16xf32>,
        %scatter3A_449 = arith.constant 1 : i32
        %scatter3A_450 = arith.constant 0 : i32
        %scatter3A_451 = arith.constant 0 : i32
        %scatter3A_452 = tpu.memref_slice %arg8[%scatter3A_449, %scatter3A_450, %scatter3A_451] : memref<2x64x129xf32, #tpu.memory_space<vmem>> -> memref<1x64x129xf32, #tpu.memory_space<vmem>>
        %scatter3A_453 = tpu.memref_squeeze %scatter3A_452 : memref<1x64x129xf32, #tpu.memory_space<vmem>> -> memref<64x129xf32, #tpu.memory_space<vmem>>
        tpu.vector_store_idx %scatter3A_453[%add3A_18, %broadcast_in_dim3A], %get3A_448 : memref<64x129xf32, #tpu.memory_space<vmem>>[vector<16xi32>, vector<16xi32>], vector<16xf32>,
        %get3A_454 = arith.constant 1 : i32
        %get3A_455 = arith.index_cast %get3A_454 : i32 to index
        %get3A_456 = arith.index_cast %add3A_425 : i32 to index
        %get3A_457 = arith.constant 48 : index
        %get3A_458 = tpu.vector_load %arg7[%get3A_455, %get3A_456, %get3A_457] {strides = array<i32>} : memref<2x128x64xf32, #tpu.memory_space<vmem>>, vector<16xf32>,
        %scatter3A_459 = arith.constant 1 : i32
        %scatter3A_460 = arith.constant 0 : i32
        %scatter3A_461 = arith.constant 0 : i32
        %scatter3A_462 = tpu.memref_slice %arg8[%scatter3A_459, %scatter3A_460, %scatter3A_461] : memref<2x64x129xf32, #tpu.memory_space<vmem>> -> memref<1x64x129xf32, #tpu.memory_space<vmem>>
        %scatter3A_463 = tpu.memref_squeeze %scatter3A_462 : memref<1x64x129xf32, #tpu.memory_space<vmem>> -> memref<64x129xf32, #tpu.memory_space<vmem>>
        tpu.vector_store_idx %scatter3A_463[%add3A_21, %broadcast_in_dim3A], %get3A_458 : memref<64x129xf32, #tpu.memory_space<vmem>>[vector<16xi32>, vector<16xi32>], vector<16xf32>,
        %add3A_464 = arith.constant 1 : i32
        %add3A_465 = arith.addi %add3A_423, %add3A_464 : i32
        %broadcast_in_dim3A_466 = vector.broadcast %add3A_465 : i32 to vector<16xi32>
        %get3A_467 = arith.constant 1 : i32
        %get3A_468 = arith.index_cast %get3A_467 : i32 to index
        %get3A_469 = arith.index_cast %add3A_465 : i32 to index
        %get3A_470 = arith.constant 0 : index
        %get3A_471 = tpu.vector_load %arg7[%get3A_468, %get3A_469, %get3A_470] {strides = array<i32>} : memref<2x128x64xf32, #tpu.memory_space<vmem>>, vector<16xf32>,
        %scatter3A_472 = arith.constant 1 : i32
        %scatter3A_473 = arith.constant 0 : i32
        %scatter3A_474 = arith.constant 0 : i32
        %scatter3A_475 = tpu.memref_slice %arg8[%scatter3A_472, %scatter3A_473, %scatter3A_474] : memref<2x64x129xf32, #tpu.memory_space<vmem>> -> memref<1x64x129xf32, #tpu.memory_space<vmem>>
        %scatter3A_476 = tpu.memref_squeeze %scatter3A_475 : memref<1x64x129xf32, #tpu.memory_space<vmem>> -> memref<64x129xf32, #tpu.memory_space<vmem>>
        tpu.vector_store_idx %scatter3A_476[%add3A_12, %broadcast_in_dim3A_466], %get3A_471 : memref<64x129xf32, #tpu.memory_space<vmem>>[vector<16xi32>, vector<16xi32>], vector<16xf32>,
        %get3A_477 = arith.constant 1 : i32
        %get3A_478 = arith.index_cast %get3A_477 : i32 to index
        %get3A_479 = arith.index_cast %add3A_465 : i32 to index
        %get3A_480 = arith.constant 16 : index
        %get3A_481 = tpu.vector_load %arg7[%get3A_478, %get3A_479, %get3A_480] {strides = array<i32>} : memref<2x128x64xf32, #tpu.memory_space<vmem>>, vector<16xf32>,
        %scatter3A_482 = arith.constant 1 : i32
        %scatter3A_483 = arith.constant 0 : i32
        %scatter3A_484 = arith.constant 0 : i32
        %scatter3A_485 = tpu.memref_slice %arg8[%scatter3A_482, %scatter3A_483, %scatter3A_484] : memref<2x64x129xf32, #tpu.memory_space<vmem>> -> memref<1x64x129xf32, #tpu.memory_space<vmem>>
        %scatter3A_486 = tpu.memref_squeeze %scatter3A_485 : memref<1x64x129xf32, #tpu.memory_space<vmem>> -> memref<64x129xf32, #tpu.memory_space<vmem>>
        tpu.vector_store_idx %scatter3A_486[%add3A_15, %broadcast_in_dim3A_466], %get3A_481 : memref<64x129xf32, #tpu.memory_space<vmem>>[vector<16xi32>, vector<16xi32>], vector<16xf32>,
        %get3A_487 = arith.constant 1 : i32
        %get3A_488 = arith.index_cast %get3A_487 : i32 to index
        %get3A_489 = arith.index_cast %add3A_465 : i32 to index
        %get3A_490 = arith.constant 32 : index
        %get3A_491 = tpu.vector_load %arg7[%get3A_488, %get3A_489, %get3A_490] {strides = array<i32>} : memref<2x128x64xf32, #tpu.memory_space<vmem>>, vector<16xf32>,
        %scatter3A_492 = arith.constant 1 : i32
        %scatter3A_493 = arith.constant 0 : i32
        %scatter3A_494 = arith.constant 0 : i32
        %scatter3A_495 = tpu.memref_slice %arg8[%scatter3A_492, %scatter3A_493, %scatter3A_494] : memref<2x64x129xf32, #tpu.memory_space<vmem>> -> memref<1x64x129xf32, #tpu.memory_space<vmem>>
        %scatter3A_496 = tpu.memref_squeeze %scatter3A_495 : memref<1x64x129xf32, #tpu.memory_space<vmem>> -> memref<64x129xf32, #tpu.memory_space<vmem>>
        tpu.vector_store_idx %scatter3A_496[%add3A_18, %broadcast_in_dim3A_466], %get3A_491 : memref<64x129xf32, #tpu.memory_space<vmem>>[vector<16xi32>, vector<16xi32>], vector<16xf32>,
        %get3A_497 = arith.constant 1 : i32
        %get3A_498 = arith.index_cast %get3A_497 : i32 to index
        %get3A_499 = arith.index_cast %add3A_465 : i32 to index
        %get3A_500 = arith.constant 48 : index
        %get3A_501 = tpu.vector_load %arg7[%get3A_498, %get3A_499, %get3A_500] {strides = array<i32>} : memref<2x128x64xf32, #tpu.memory_space<vmem>>, vector<16xf32>,
        %scatter3A_502 = arith.constant 1 : i32
        %scatter3A_503 = arith.constant 0 : i32
        %scatter3A_504 = arith.constant 0 : i32
        %scatter3A_505 = tpu.memref_slice %arg8[%scatter3A_502, %scatter3A_503, %scatter3A_504] : memref<2x64x129xf32, #tpu.memory_space<vmem>> -> memref<1x64x129xf32, #tpu.memory_space<vmem>>
        %scatter3A_506 = tpu.memref_squeeze %scatter3A_505 : memref<1x64x129xf32, #tpu.memory_space<vmem>> -> memref<64x129xf32, #tpu.memory_space<vmem>>
        tpu.vector_store_idx %scatter3A_506[%add3A_21, %broadcast_in_dim3A_466], %get3A_501 : memref<64x129xf32, #tpu.memory_space<vmem>>[vector<16xi32>, vector<16xi32>], vector<16xf32>,
        %add3A_507 = arith.constant 2 : i32
        %add3A_508 = arith.addi %add3A_423, %add3A_507 : i32
        %broadcast_in_dim3A_509 = vector.broadcast %add3A_508 : i32 to vector<16xi32>
        %get3A_510 = arith.constant 1 : i32
        %get3A_511 = arith.index_cast %get3A_510 : i32 to index
        %get3A_512 = arith.index_cast %add3A_508 : i32 to index
        %get3A_513 = arith.constant 0 : index
        %get3A_514 = tpu.vector_load %arg7[%get3A_511, %get3A_512, %get3A_513] {strides = array<i32>} : memref<2x128x64xf32, #tpu.memory_space<vmem>>, vector<16xf32>,
        %scatter3A_515 = arith.constant 1 : i32
        %scatter3A_516 = arith.constant 0 : i32
        %scatter3A_517 = arith.constant 0 : i32
        %scatter3A_518 = tpu.memref_slice %arg8[%scatter3A_515, %scatter3A_516, %scatter3A_517] : memref<2x64x129xf32, #tpu.memory_space<vmem>> -> memref<1x64x129xf32, #tpu.memory_space<vmem>>
        %scatter3A_519 = tpu.memref_squeeze %scatter3A_518 : memref<1x64x129xf32, #tpu.memory_space<vmem>> -> memref<64x129xf32, #tpu.memory_space<vmem>>
        tpu.vector_store_idx %scatter3A_519[%add3A_12, %broadcast_in_dim3A_509], %get3A_514 : memref<64x129xf32, #tpu.memory_space<vmem>>[vector<16xi32>, vector<16xi32>], vector<16xf32>,
        %get3A_520 = arith.constant 1 : i32
        %get3A_521 = arith.index_cast %get3A_520 : i32 to index
        %get3A_522 = arith.index_cast %add3A_508 : i32 to index
        %get3A_523 = arith.constant 16 : index
        %get3A_524 = tpu.vector_load %arg7[%get3A_521, %get3A_522, %get3A_523] {strides = array<i32>} : memref<2x128x64xf32, #tpu.memory_space<vmem>>, vector<16xf32>,
        %scatter3A_525 = arith.constant 1 : i32
        %scatter3A_526 = arith.constant 0 : i32
        %scatter3A_527 = arith.constant 0 : i32
        %scatter3A_528 = tpu.memref_slice %arg8[%scatter3A_525, %scatter3A_526, %scatter3A_527] : memref<2x64x129xf32, #tpu.memory_space<vmem>> -> memref<1x64x129xf32, #tpu.memory_space<vmem>>
        %scatter3A_529 = tpu.memref_squeeze %scatter3A_528 : memref<1x64x129xf32, #tpu.memory_space<vmem>> -> memref<64x129xf32, #tpu.memory_space<vmem>>
        tpu.vector_store_idx %scatter3A_529[%add3A_15, %broadcast_in_dim3A_509], %get3A_524 : memref<64x129xf32, #tpu.memory_space<vmem>>[vector<16xi32>, vector<16xi32>], vector<16xf32>,
        %get3A_530 = arith.constant 1 : i32
        %get3A_531 = arith.index_cast %get3A_530 : i32 to index
        %get3A_532 = arith.index_cast %add3A_508 : i32 to index
        %get3A_533 = arith.constant 32 : index
        %get3A_534 = tpu.vector_load %arg7[%get3A_531, %get3A_532, %get3A_533] {strides = array<i32>} : memref<2x128x64xf32, #tpu.memory_space<vmem>>, vector<16xf32>,
        %scatter3A_535 = arith.constant 1 : i32
        %scatter3A_536 = arith.constant 0 : i32
        %scatter3A_537 = arith.constant 0 : i32
        %scatter3A_538 = tpu.memref_slice %arg8[%scatter3A_535, %scatter3A_536, %scatter3A_537] : memref<2x64x129xf32, #tpu.memory_space<vmem>> -> memref<1x64x129xf32, #tpu.memory_space<vmem>>
        %scatter3A_539 = tpu.memref_squeeze %scatter3A_538 : memref<1x64x129xf32, #tpu.memory_space<vmem>> -> memref<64x129xf32, #tpu.memory_space<vmem>>
        tpu.vector_store_idx %scatter3A_539[%add3A_18, %broadcast_in_dim3A_509], %get3A_534 : memref<64x129xf32, #tpu.memory_space<vmem>>[vector<16xi32>, vector<16xi32>], vector<16xf32>,
        %get3A_540 = arith.constant 1 : i32
        %get3A_541 = arith.index_cast %get3A_540 : i32 to index
        %get3A_542 = arith.index_cast %add3A_508 : i32 to index
        %get3A_543 = arith.constant 48 : index
        %get3A_544 = tpu.vector_load %arg7[%get3A_541, %get3A_542, %get3A_543] {strides = array<i32>} : memref<2x128x64xf32, #tpu.memory_space<vmem>>, vector<16xf32>,
        %scatter3A_545 = arith.constant 1 : i32
        %scatter3A_546 = arith.constant 0 : i32
        %scatter3A_547 = arith.constant 0 : i32
        %scatter3A_548 = tpu.memref_slice %arg8[%scatter3A_545, %scatter3A_546, %scatter3A_547] : memref<2x64x129xf32, #tpu.memory_space<vmem>> -> memref<1x64x129xf32, #tpu.memory_space<vmem>>
        %scatter3A_549 = tpu.memref_squeeze %scatter3A_548 : memref<1x64x129xf32, #tpu.memory_space<vmem>> -> memref<64x129xf32, #tpu.memory_space<vmem>>
        tpu.vector_store_idx %scatter3A_549[%add3A_21, %broadcast_in_dim3A_509], %get3A_544 : memref<64x129xf32, #tpu.memory_space<vmem>>[vector<16xi32>, vector<16xi32>], vector<16xf32>,
        %add3A_550 = arith.constant 3 : i32
        %add3A_551 = arith.addi %add3A_423, %add3A_550 : i32
        %broadcast_in_dim3A_552 = vector.broadcast %add3A_551 : i32 to vector<16xi32>
        %get3A_553 = arith.constant 1 : i32
        %get3A_554 = arith.index_cast %get3A_553 : i32 to index
        %get3A_555 = arith.index_cast %add3A_551 : i32 to index
        %get3A_556 = arith.constant 0 : index
        %get3A_557 = tpu.vector_load %arg7[%get3A_554, %get3A_555, %get3A_556] {strides = array<i32>} : memref<2x128x64xf32, #tpu.memory_space<vmem>>, vector<16xf32>,
        %scatter3A_558 = arith.constant 1 : i32
        %scatter3A_559 = arith.constant 0 : i32
        %scatter3A_560 = arith.constant 0 : i32
        %scatter3A_561 = tpu.memref_slice %arg8[%scatter3A_558, %scatter3A_559, %scatter3A_560] : memref<2x64x129xf32, #tpu.memory_space<vmem>> -> memref<1x64x129xf32, #tpu.memory_space<vmem>>
        %scatter3A_562 = tpu.memref_squeeze %scatter3A_561 : memref<1x64x129xf32, #tpu.memory_space<vmem>> -> memref<64x129xf32, #tpu.memory_space<vmem>>
        tpu.vector_store_idx %scatter3A_562[%add3A_12, %broadcast_in_dim3A_552], %get3A_557 : memref<64x129xf32, #tpu.memory_space<vmem>>[vector<16xi32>, vector<16xi32>], vector<16xf32>,
        %get3A_563 = arith.constant 1 : i32
        %get3A_564 = arith.index_cast %get3A_563 : i32 to index
        %get3A_565 = arith.index_cast %add3A_551 : i32 to index
        %get3A_566 = arith.constant 16 : index
        %get3A_567 = tpu.vector_load %arg7[%get3A_564, %get3A_565, %get3A_566] {strides = array<i32>} : memref<2x128x64xf32, #tpu.memory_space<vmem>>, vector<16xf32>,
        %scatter3A_568 = arith.constant 1 : i32
        %scatter3A_569 = arith.constant 0 : i32
        %scatter3A_570 = arith.constant 0 : i32
        %scatter3A_571 = tpu.memref_slice %arg8[%scatter3A_568, %scatter3A_569, %scatter3A_570] : memref<2x64x129xf32, #tpu.memory_space<vmem>> -> memref<1x64x129xf32, #tpu.memory_space<vmem>>
        %scatter3A_572 = tpu.memref_squeeze %scatter3A_571 : memref<1x64x129xf32, #tpu.memory_space<vmem>> -> memref<64x129xf32, #tpu.memory_space<vmem>>
        tpu.vector_store_idx %scatter3A_572[%add3A_15, %broadcast_in_dim3A_552], %get3A_567 : memref<64x129xf32, #tpu.memory_space<vmem>>[vector<16xi32>, vector<16xi32>], vector<16xf32>,
        %get3A_573 = arith.constant 1 : i32
        %get3A_574 = arith.index_cast %get3A_573 : i32 to index
        %get3A_575 = arith.index_cast %add3A_551 : i32 to index
        %get3A_576 = arith.constant 32 : index
        %get3A_577 = tpu.vector_load %arg7[%get3A_574, %get3A_575, %get3A_576] {strides = array<i32>} : memref<2x128x64xf32, #tpu.memory_space<vmem>>, vector<16xf32>,
        %scatter3A_578 = arith.constant 1 : i32
        %scatter3A_579 = arith.constant 0 : i32
        %scatter3A_580 = arith.constant 0 : i32
        %scatter3A_581 = tpu.memref_slice %arg8[%scatter3A_578, %scatter3A_579, %scatter3A_580] : memref<2x64x129xf32, #tpu.memory_space<vmem>> -> memref<1x64x129xf32, #tpu.memory_space<vmem>>
        %scatter3A_582 = tpu.memref_squeeze %scatter3A_581 : memref<1x64x129xf32, #tpu.memory_space<vmem>> -> memref<64x129xf32, #tpu.memory_space<vmem>>
        tpu.vector_store_idx %scatter3A_582[%add3A_18, %broadcast_in_dim3A_552], %get3A_577 : memref<64x129xf32, #tpu.memory_space<vmem>>[vector<16xi32>, vector<16xi32>], vector<16xf32>,
        %get3A_583 = arith.constant 1 : i32
        %get3A_584 = arith.index_cast %get3A_583 : i32 to index
        %get3A_585 = arith.index_cast %add3A_551 : i32 to index
        %get3A_586 = arith.constant 48 : index
        %get3A_587 = tpu.vector_load %arg7[%get3A_584, %get3A_585, %get3A_586] {strides = array<i32>} : memref<2x128x64xf32, #tpu.memory_space<vmem>>, vector<16xf32>,
        %scatter3A_588 = arith.constant 1 : i32
        %scatter3A_589 = arith.constant 0 : i32
        %scatter3A_590 = arith.constant 0 : i32
        %scatter3A_591 = tpu.memref_slice %arg8[%scatter3A_588, %scatter3A_589, %scatter3A_590] : memref<2x64x129xf32, #tpu.memory_space<vmem>> -> memref<1x64x129xf32, #tpu.memory_space<vmem>>
        %scatter3A_592 = tpu.memref_squeeze %scatter3A_591 : memref<1x64x129xf32, #tpu.memory_space<vmem>> -> memref<64x129xf32, #tpu.memory_space<vmem>>
        tpu.vector_store_idx %scatter3A_592[%add3A_21, %broadcast_in_dim3A_552], %get3A_587 : memref<64x129xf32, #tpu.memory_space<vmem>>[vector<16xi32>, vector<16xi32>], vector<16xf32>,
      }
      %scan3A_267 = arith.constant 32 : i32
      %dma_start3A_268 = arith.constant 1 : i32
      %dma_start3A_269 = arith.constant 0 : i32
      %dma_start3A_270 = arith.constant 0 : i32
      %dma_start3A_271 = arith.constant 0 : i32
      %dma_start3A_272 = tpu.memref_slice %arg8[%dma_start3A_268, %dma_start3A_270, %dma_start3A_271] : memref<2x64x129xf32, #tpu.memory_space<vmem>> -> memref<1x8x128xf32, #tpu.memory_space<vmem>>
      %dma_start3A_273 = tpu.memref_squeeze %dma_start3A_272 : memref<1x8x128xf32, #tpu.memory_space<vmem>> -> memref<8x128xf32, #tpu.memory_space<vmem>>
      %dma_start3A_274 = arith.constant 0 : i32
      %dma_start3A_275 = arith.constant 0 : i32
      %dma_start3A_276 = tpu.memref_slice %arg4[%add3A_246, %dma_start3A_269, %add3A, %dma_start3A_274, %dma_start3A_275] : memref<50x8x32x8x128xf32, #tpu.memory_space<hbm>> -> memref<1x1x1x8x128xf32, #tpu.memory_space<hbm>>
      %dma_start3A_277 = tpu.memref_squeeze %dma_start3A_276 : memref<1x1x1x8x128xf32, #tpu.memory_space<hbm>> -> memref<8x128xf32, #tpu.memory_space<hbm>>
      %dma_start3A_278 = arith.constant 0 : i32
      %dma_start3A_279 = arith.constant 0 : i32
      %dma_start3A_280 = tpu.memref_slice %arg4[%add3A_246, %dma_start3A_269, %add3A, %dma_start3A_278, %dma_start3A_279] : memref<50x8x32x8x128xf32, #tpu.memory_space<hbm>> -> memref<1x1x1x8x128xf32, #tpu.memory_space<hbm>>
      %dma_start3A_281 = tpu.memref_squeeze %dma_start3A_280 : memref<1x1x1x8x128xf32, #tpu.memory_space<hbm>> -> memref<8x128xf32, #tpu.memory_space<hbm>>
      %dma_start3A_282 = arith.constant 0 : i32
      %dma_start3A_283 = arith.constant 0 : i32
      %dma_start3A_284 = tpu.memref_slice %arg8[%dma_start3A_268, %dma_start3A_282, %dma_start3A_283] : memref<2x64x129xf32, #tpu.memory_space<vmem>> -> memref<1x8x128xf32, #tpu.memory_space<vmem>>
      %dma_start3A_285 = tpu.memref_squeeze %dma_start3A_284 : memref<1x8x128xf32, #tpu.memory_space<vmem>> -> memref<8x128xf32, #tpu.memory_space<vmem>>
      tpu.enqueue_dma source(%dma_start3A_285 : memref<8x128xf32, #tpu.memory_space<vmem>>) target(%dma_start3A_281 : memref<8x128xf32, #tpu.memory_space<hbm>>) target_semaphore(%arg13 : memref<!tpu.dma_semaphore, #tpu.memory_space<semaphore_mem>>)
      %dma_start3A_286 = arith.constant 1 : i32
      %dma_start3A_287 = arith.constant 1 : i32
      %dma_start3A_288 = arith.constant 8 : i32
      %dma_start3A_289 = arith.constant 0 : i32
      %dma_start3A_290 = tpu.memref_slice %arg8[%dma_start3A_286, %dma_start3A_288, %dma_start3A_289] : memref<2x64x129xf32, #tpu.memory_space<vmem>> -> memref<1x8x128xf32, #tpu.memory_space<vmem>>
      %dma_start3A_291 = tpu.memref_squeeze %dma_start3A_290 : memref<1x8x128xf32, #tpu.memory_space<vmem>> -> memref<8x128xf32, #tpu.memory_space<vmem>>
      %dma_start3A_292 = arith.constant 0 : i32
      %dma_start3A_293 = arith.constant 0 : i32
      %dma_start3A_294 = tpu.memref_slice %arg4[%add3A_246, %dma_start3A_287, %add3A, %dma_start3A_292, %dma_start3A_293] : memref<50x8x32x8x128xf32, #tpu.memory_space<hbm>> -> memref<1x1x1x8x128xf32, #tpu.memory_space<hbm>>
      %dma_start3A_295 = tpu.memref_squeeze %dma_start3A_294 : memref<1x1x1x8x128xf32, #tpu.memory_space<hbm>> -> memref<8x128xf32, #tpu.memory_space<hbm>>
      %dma_start3A_296 = arith.constant 0 : i32
      %dma_start3A_297 = arith.constant 0 : i32
      %dma_start3A_298 = tpu.memref_slice %arg4[%add3A_246, %dma_start3A_287, %add3A, %dma_start3A_296, %dma_start3A_297] : memref<50x8x32x8x128xf32, #tpu.memory_space<hbm>> -> memref<1x1x1x8x128xf32, #tpu.memory_space<hbm>>
      %dma_start3A_299 = tpu.memref_squeeze %dma_start3A_298 : memref<1x1x1x8x128xf32, #tpu.memory_space<hbm>> -> memref<8x128xf32, #tpu.memory_space<hbm>>
      %dma_start3A_300 = arith.constant 8 : i32
      %dma_start3A_301 = arith.constant 0 : i32
      %dma_start3A_302 = tpu.memref_slice %arg8[%dma_start3A_286, %dma_start3A_300, %dma_start3A_301] : memref<2x64x129xf32, #tpu.memory_space<vmem>> -> memref<1x8x128xf32, #tpu.memory_space<vmem>>
      %dma_start3A_303 = tpu.memref_squeeze %dma_start3A_302 : memref<1x8x128xf32, #tpu.memory_space<vmem>> -> memref<8x128xf32, #tpu.memory_space<vmem>>
      tpu.enqueue_dma source(%dma_start3A_303 : memref<8x128xf32, #tpu.memory_space<vmem>>) target(%dma_start3A_299 : memref<8x128xf32, #tpu.memory_space<hbm>>) target_semaphore(%arg13 : memref<!tpu.dma_semaphore, #tpu.memory_space<semaphore_mem>>)
      %dma_start3A_304 = arith.constant 1 : i32
      %dma_start3A_305 = arith.constant 2 : i32
      %dma_start3A_306 = arith.constant 16 : i32
      %dma_start3A_307 = arith.constant 0 : i32
      %dma_start3A_308 = tpu.memref_slice %arg8[%dma_start3A_304, %dma_start3A_306, %dma_start3A_307] : memref<2x64x129xf32, #tpu.memory_space<vmem>> -> memref<1x8x128xf32, #tpu.memory_space<vmem>>
      %dma_start3A_309 = tpu.memref_squeeze %dma_start3A_308 : memref<1x8x128xf32, #tpu.memory_space<vmem>> -> memref<8x128xf32, #tpu.memory_space<vmem>>
      %dma_start3A_310 = arith.constant 0 : i32
      %dma_start3A_311 = arith.constant 0 : i32
      %dma_start3A_312 = tpu.memref_slice %arg4[%add3A_246, %dma_start3A_305, %add3A, %dma_start3A_310, %dma_start3A_311] : memref<50x8x32x8x128xf32, #tpu.memory_space<hbm>> -> memref<1x1x1x8x128xf32, #tpu.memory_space<hbm>>
      %dma_start3A_313 = tpu.memref_squeeze %dma_start3A_312 : memref<1x1x1x8x128xf32, #tpu.memory_space<hbm>> -> memref<8x128xf32, #tpu.memory_space<hbm>>
      %dma_start3A_314 = arith.constant 0 : i32
      %dma_start3A_315 = arith.constant 0 : i32
      %dma_start3A_316 = tpu.memref_slice %arg4[%add3A_246, %dma_start3A_305, %add3A, %dma_start3A_314, %dma_start3A_315] : memref<50x8x32x8x128xf32, #tpu.memory_space<hbm>> -> memref<1x1x1x8x128xf32, #tpu.memory_space<hbm>>
      %dma_start3A_317 = tpu.memref_squeeze %dma_start3A_316 : memref<1x1x1x8x128xf32, #tpu.memory_space<hbm>> -> memref<8x128xf32, #tpu.memory_space<hbm>>
      %dma_start3A_318 = arith.constant 16 : i32
      %dma_start3A_319 = arith.constant 0 : i32
      %dma_start3A_320 = tpu.memref_slice %arg8[%dma_start3A_304, %dma_start3A_318, %dma_start3A_319] : memref<2x64x129xf32, #tpu.memory_space<vmem>> -> memref<1x8x128xf32, #tpu.memory_space<vmem>>
      %dma_start3A_321 = tpu.memref_squeeze %dma_start3A_320 : memref<1x8x128xf32, #tpu.memory_space<vmem>> -> memref<8x128xf32, #tpu.memory_space<vmem>>
      tpu.enqueue_dma source(%dma_start3A_321 : memref<8x128xf32, #tpu.memory_space<vmem>>) target(%dma_start3A_317 : memref<8x128xf32, #tpu.memory_space<hbm>>) target_semaphore(%arg13 : memref<!tpu.dma_semaphore, #tpu.memory_space<semaphore_mem>>)
      %dma_start3A_322 = arith.constant 1 : i32
      %dma_start3A_323 = arith.constant 3 : i32
      %dma_start3A_324 = arith.constant 24 : i32
      %dma_start3A_325 = arith.constant 0 : i32
      %dma_start3A_326 = tpu.memref_slice %arg8[%dma_start3A_322, %dma_start3A_324, %dma_start3A_325] : memref<2x64x129xf32, #tpu.memory_space<vmem>> -> memref<1x8x128xf32, #tpu.memory_space<vmem>>
      %dma_start3A_327 = tpu.memref_squeeze %dma_start3A_326 : memref<1x8x128xf32, #tpu.memory_space<vmem>> -> memref<8x128xf32, #tpu.memory_space<vmem>>
      %dma_start3A_328 = arith.constant 0 : i32
      %dma_start3A_329 = arith.constant 0 : i32
      %dma_start3A_330 = tpu.memref_slice %arg4[%add3A_246, %dma_start3A_323, %add3A, %dma_start3A_328, %dma_start3A_329] : memref<50x8x32x8x128xf32, #tpu.memory_space<hbm>> -> memref<1x1x1x8x128xf32, #tpu.memory_space<hbm>>
      %dma_start3A_331 = tpu.memref_squeeze %dma_start3A_330 : memref<1x1x1x8x128xf32, #tpu.memory_space<hbm>> -> memref<8x128xf32, #tpu.memory_space<hbm>>
      %dma_start3A_332 = arith.constant 0 : i32
      %dma_start3A_333 = arith.constant 0 : i32
      %dma_start3A_334 = tpu.memref_slice %arg4[%add3A_246, %dma_start3A_323, %add3A, %dma_start3A_332, %dma_start3A_333] : memref<50x8x32x8x128xf32, #tpu.memory_space<hbm>> -> memref<1x1x1x8x128xf32, #tpu.memory_space<hbm>>
      %dma_start3A_335 = tpu.memref_squeeze %dma_start3A_334 : memref<1x1x1x8x128xf32, #tpu.memory_space<hbm>> -> memref<8x128xf32, #tpu.memory_space<hbm>>
      %dma_start3A_336 = arith.constant 24 : i32
      %dma_start3A_337 = arith.constant 0 : i32
      %dma_start3A_338 = tpu.memref_slice %arg8[%dma_start3A_322, %dma_start3A_336, %dma_start3A_337] : memref<2x64x129xf32, #tpu.memory_space<vmem>> -> memref<1x8x128xf32, #tpu.memory_space<vmem>>
      %dma_start3A_339 = tpu.memref_squeeze %dma_start3A_338 : memref<1x8x128xf32, #tpu.memory_space<vmem>> -> memref<8x128xf32, #tpu.memory_space<vmem>>
      tpu.enqueue_dma source(%dma_start3A_339 : memref<8x128xf32, #tpu.memory_space<vmem>>) target(%dma_start3A_335 : memref<8x128xf32, #tpu.memory_space<hbm>>) target_semaphore(%arg13 : memref<!tpu.dma_semaphore, #tpu.memory_space<semaphore_mem>>)
      %dma_start3A_340 = arith.constant 1 : i32
      %dma_start3A_341 = arith.constant 4 : i32
      %dma_start3A_342 = arith.constant 32 : i32
      %dma_start3A_343 = arith.constant 0 : i32
      %dma_start3A_344 = tpu.memref_slice %arg8[%dma_start3A_340, %dma_start3A_342, %dma_start3A_343] : memref<2x64x129xf32, #tpu.memory_space<vmem>> -> memref<1x8x128xf32, #tpu.memory_space<vmem>>
      %dma_start3A_345 = tpu.memref_squeeze %dma_start3A_344 : memref<1x8x128xf32, #tpu.memory_space<vmem>> -> memref<8x128xf32, #tpu.memory_space<vmem>>
      %dma_start3A_346 = arith.constant 0 : i32
      %dma_start3A_347 = arith.constant 0 : i32
      %dma_start3A_348 = tpu.memref_slice %arg4[%add3A_246, %dma_start3A_341, %add3A, %dma_start3A_346, %dma_start3A_347] : memref<50x8x32x8x128xf32, #tpu.memory_space<hbm>> -> memref<1x1x1x8x128xf32, #tpu.memory_space<hbm>>
      %dma_start3A_349 = tpu.memref_squeeze %dma_start3A_348 : memref<1x1x1x8x128xf32, #tpu.memory_space<hbm>> -> memref<8x128xf32, #tpu.memory_space<hbm>>
      %dma_start3A_350 = arith.constant 0 : i32
      %dma_start3A_351 = arith.constant 0 : i32
      %dma_start3A_352 = tpu.memref_slice %arg4[%add3A_246, %dma_start3A_341, %add3A, %dma_start3A_350, %dma_start3A_351] : memref<50x8x32x8x128xf32, #tpu.memory_space<hbm>> -> memref<1x1x1x8x128xf32, #tpu.memory_space<hbm>>
      %dma_start3A_353 = tpu.memref_squeeze %dma_start3A_352 : memref<1x1x1x8x128xf32, #tpu.memory_space<hbm>> -> memref<8x128xf32, #tpu.memory_space<hbm>>
      %dma_start3A_354 = arith.constant 32 : i32
      %dma_start3A_355 = arith.constant 0 : i32
      %dma_start3A_356 = tpu.memref_slice %arg8[%dma_start3A_340, %dma_start3A_354, %dma_start3A_355] : memref<2x64x129xf32, #tpu.memory_space<vmem>> -> memref<1x8x128xf32, #tpu.memory_space<vmem>>
      %dma_start3A_357 = tpu.memref_squeeze %dma_start3A_356 : memref<1x8x128xf32, #tpu.memory_space<vmem>> -> memref<8x128xf32, #tpu.memory_space<vmem>>
      tpu.enqueue_dma source(%dma_start3A_357 : memref<8x128xf32, #tpu.memory_space<vmem>>) target(%dma_start3A_353 : memref<8x128xf32, #tpu.memory_space<hbm>>) target_semaphore(%arg13 : memref<!tpu.dma_semaphore, #tpu.memory_space<semaphore_mem>>)
      %dma_start3A_358 = arith.constant 1 : i32
      %dma_start3A_359 = arith.constant 5 : i32
      %dma_start3A_360 = arith.constant 40 : i32
      %dma_start3A_361 = arith.constant 0 : i32
      %dma_start3A_362 = tpu.memref_slice %arg8[%dma_start3A_358, %dma_start3A_360, %dma_start3A_361] : memref<2x64x129xf32, #tpu.memory_space<vmem>> -> memref<1x8x128xf32, #tpu.memory_space<vmem>>
      %dma_start3A_363 = tpu.memref_squeeze %dma_start3A_362 : memref<1x8x128xf32, #tpu.memory_space<vmem>> -> memref<8x128xf32, #tpu.memory_space<vmem>>
      %dma_start3A_364 = arith.constant 0 : i32
      %dma_start3A_365 = arith.constant 0 : i32
      %dma_start3A_366 = tpu.memref_slice %arg4[%add3A_246, %dma_start3A_359, %add3A, %dma_start3A_364, %dma_start3A_365] : memref<50x8x32x8x128xf32, #tpu.memory_space<hbm>> -> memref<1x1x1x8x128xf32, #tpu.memory_space<hbm>>
      %dma_start3A_367 = tpu.memref_squeeze %dma_start3A_366 : memref<1x1x1x8x128xf32, #tpu.memory_space<hbm>> -> memref<8x128xf32, #tpu.memory_space<hbm>>
      %dma_start3A_368 = arith.constant 0 : i32
      %dma_start3A_369 = arith.constant 0 : i32
      %dma_start3A_370 = tpu.memref_slice %arg4[%add3A_246, %dma_start3A_359, %add3A, %dma_start3A_368, %dma_start3A_369] : memref<50x8x32x8x128xf32, #tpu.memory_space<hbm>> -> memref<1x1x1x8x128xf32, #tpu.memory_space<hbm>>
      %dma_start3A_371 = tpu.memref_squeeze %dma_start3A_370 : memref<1x1x1x8x128xf32, #tpu.memory_space<hbm>> -> memref<8x128xf32, #tpu.memory_space<hbm>>
      %dma_start3A_372 = arith.constant 40 : i32
      %dma_start3A_373 = arith.constant 0 : i32
      %dma_start3A_374 = tpu.memref_slice %arg8[%dma_start3A_358, %dma_start3A_372, %dma_start3A_373] : memref<2x64x129xf32, #tpu.memory_space<vmem>> -> memref<1x8x128xf32, #tpu.memory_space<vmem>>
      %dma_start3A_375 = tpu.memref_squeeze %dma_start3A_374 : memref<1x8x128xf32, #tpu.memory_space<vmem>> -> memref<8x128xf32, #tpu.memory_space<vmem>>
      tpu.enqueue_dma source(%dma_start3A_375 : memref<8x128xf32, #tpu.memory_space<vmem>>) target(%dma_start3A_371 : memref<8x128xf32, #tpu.memory_space<hbm>>) target_semaphore(%arg13 : memref<!tpu.dma_semaphore, #tpu.memory_space<semaphore_mem>>)
      %dma_start3A_376 = arith.constant 1 : i32
      %dma_start3A_377 = arith.constant 6 : i32
      %dma_start3A_378 = arith.constant 48 : i32
      %dma_start3A_379 = arith.constant 0 : i32
      %dma_start3A_380 = tpu.memref_slice %arg8[%dma_start3A_376, %dma_start3A_378, %dma_start3A_379] : memref<2x64x129xf32, #tpu.memory_space<vmem>> -> memref<1x8x128xf32, #tpu.memory_space<vmem>>
      %dma_start3A_381 = tpu.memref_squeeze %dma_start3A_380 : memref<1x8x128xf32, #tpu.memory_space<vmem>> -> memref<8x128xf32, #tpu.memory_space<vmem>>
      %dma_start3A_382 = arith.constant 0 : i32
      %dma_start3A_383 = arith.constant 0 : i32
      %dma_start3A_384 = tpu.memref_slice %arg4[%add3A_246, %dma_start3A_377, %add3A, %dma_start3A_382, %dma_start3A_383] : memref<50x8x32x8x128xf32, #tpu.memory_space<hbm>> -> memref<1x1x1x8x128xf32, #tpu.memory_space<hbm>>
      %dma_start3A_385 = tpu.memref_squeeze %dma_start3A_384 : memref<1x1x1x8x128xf32, #tpu.memory_space<hbm>> -> memref<8x128xf32, #tpu.memory_space<hbm>>
      %dma_start3A_386 = arith.constant 0 : i32
      %dma_start3A_387 = arith.constant 0 : i32
      %dma_start3A_388 = tpu.memref_slice %arg4[%add3A_246, %dma_start3A_377, %add3A, %dma_start3A_386, %dma_start3A_387] : memref<50x8x32x8x128xf32, #tpu.memory_space<hbm>> -> memref<1x1x1x8x128xf32, #tpu.memory_space<hbm>>
      %dma_start3A_389 = tpu.memref_squeeze %dma_start3A_388 : memref<1x1x1x8x128xf32, #tpu.memory_space<hbm>> -> memref<8x128xf32, #tpu.memory_space<hbm>>
      %dma_start3A_390 = arith.constant 48 : i32
      %dma_start3A_391 = arith.constant 0 : i32
      %dma_start3A_392 = tpu.memref_slice %arg8[%dma_start3A_376, %dma_start3A_390, %dma_start3A_391] : memref<2x64x129xf32, #tpu.memory_space<vmem>> -> memref<1x8x128xf32, #tpu.memory_space<vmem>>
      %dma_start3A_393 = tpu.memref_squeeze %dma_start3A_392 : memref<1x8x128xf32, #tpu.memory_space<vmem>> -> memref<8x128xf32, #tpu.memory_space<vmem>>
      tpu.enqueue_dma source(%dma_start3A_393 : memref<8x128xf32, #tpu.memory_space<vmem>>) target(%dma_start3A_389 : memref<8x128xf32, #tpu.memory_space<hbm>>) target_semaphore(%arg13 : memref<!tpu.dma_semaphore, #tpu.memory_space<semaphore_mem>>)
      %dma_start3A_394 = arith.constant 1 : i32
      %dma_start3A_395 = arith.constant 7 : i32
      %dma_start3A_396 = arith.constant 56 : i32
      %dma_start3A_397 = arith.constant 0 : i32
      %dma_start3A_398 = tpu.memref_slice %arg8[%dma_start3A_394, %dma_start3A_396, %dma_start3A_397] : memref<2x64x129xf32, #tpu.memory_space<vmem>> -> memref<1x8x128xf32, #tpu.memory_space<vmem>>
      %dma_start3A_399 = tpu.memref_squeeze %dma_start3A_398 : memref<1x8x128xf32, #tpu.memory_space<vmem>> -> memref<8x128xf32, #tpu.memory_space<vmem>>
      %dma_start3A_400 = arith.constant 0 : i32
      %dma_start3A_401 = arith.constant 0 : i32
      %dma_start3A_402 = tpu.memref_slice %arg4[%add3A_246, %dma_start3A_395, %add3A, %dma_start3A_400, %dma_start3A_401] : memref<50x8x32x8x128xf32, #tpu.memory_space<hbm>> -> memref<1x1x1x8x128xf32, #tpu.memory_space<hbm>>
      %dma_start3A_403 = tpu.memref_squeeze %dma_start3A_402 : memref<1x1x1x8x128xf32, #tpu.memory_space<hbm>> -> memref<8x128xf32, #tpu.memory_space<hbm>>
      %dma_start3A_404 = arith.constant 0 : i32
      %dma_start3A_405 = arith.constant 0 : i32
      %dma_start3A_406 = tpu.memref_slice %arg4[%add3A_246, %dma_start3A_395, %add3A, %dma_start3A_404, %dma_start3A_405] : memref<50x8x32x8x128xf32, #tpu.memory_space<hbm>> -> memref<1x1x1x8x128xf32, #tpu.memory_space<hbm>>
      %dma_start3A_407 = tpu.memref_squeeze %dma_start3A_406 : memref<1x1x1x8x128xf32, #tpu.memory_space<hbm>> -> memref<8x128xf32, #tpu.memory_space<hbm>>
      %dma_start3A_408 = arith.constant 56 : i32
      %dma_start3A_409 = arith.constant 0 : i32
      %dma_start3A_410 = tpu.memref_slice %arg8[%dma_start3A_394, %dma_start3A_408, %dma_start3A_409] : memref<2x64x129xf32, #tpu.memory_space<vmem>> -> memref<1x8x128xf32, #tpu.memory_space<vmem>>
      %dma_start3A_411 = tpu.memref_squeeze %dma_start3A_410 : memref<1x8x128xf32, #tpu.memory_space<vmem>> -> memref<8x128xf32, #tpu.memory_space<vmem>>
      tpu.enqueue_dma source(%dma_start3A_411 : memref<8x128xf32, #tpu.memory_space<vmem>>) target(%dma_start3A_407 : memref<8x128xf32, #tpu.memory_space<hbm>>) target_semaphore(%arg13 : memref<!tpu.dma_semaphore, #tpu.memory_space<semaphore_mem>>)
      %add3A_412 = arith.constant 2 : i32
      %add3A_413 = arith.addi %add3A_246, %add3A_412 : i32
      %lt3A_414 = arith.constant 50 : i32
      %lt3A_415 = arith.cmpi slt, %add3A_413, %lt3A_414 : i32
      %convert_element_type3A_416 = arith.extui %lt3A_415 : i1 to i32
      %cond3A_417 = arith.constant 0 : i32
      %cond3A_418 = arith.cmpi ne, %convert_element_type3A_416, %cond3A_417 : i32
      scf.if %cond3A_418 {
        %add3A_419 = arith.constant 2 : i32
        %add3A_420 = arith.addi %add3A_246, %add3A_419 : i32
        %dma_start3A_421 = arith.constant 1 : i32
        %dma_start3A_422 = arith.constant 0 : i32
        %dma_start3A_423 = arith.constant 0 : i32
        %dma_start3A_424 = tpu.memref_slice %arg7[%dma_start3A_421, %dma_start3A_422, %dma_start3A_423] : memref<2x128x64xf32, #tpu.memory_space<vmem>> -> memref<1x128x64xf32, #tpu.memory_space<vmem>>
        %dma_start3A_425 = tpu.memref_squeeze %dma_start3A_424 : memref<1x128x64xf32, #tpu.memory_space<vmem>> -> memref<128x64xf32, #tpu.memory_space<vmem>>
        %dma_start3A_426 = arith.constant 0 : i32
        %dma_start3A_427 = tpu.memref_slice %arg6[%add3A_420, %dma_start3A_426] : memref<50x129xi32, #tpu.memory_space<vmem>> -> memref<1x128xi32, #tpu.memory_space<vmem>>
        %dma_start3A_428 = tpu.memref_squeeze %dma_start3A_427 : memref<1x128xi32, #tpu.memory_space<vmem>> -> memref<128xi32, #tpu.memory_space<vmem>>
        %dma_start3A_429 = arith.constant 0 : i32
        %dma_start3A_430 = arith.constant 0 : i32
        %dma_start3A_431 = tpu.memref_slice %arg3[%dma_start3A_429, %dma_start3A_430] : memref<1000000x64xf32, #tpu.memory_space<hbm>> -> memref<1000000x64xf32, #tpu.memory_space<hbm>>
        tpu.enqueue_indirect_dma source(%dma_start3A_431 : memref<1000000x64xf32, #tpu.memory_space<hbm>>) target(%dma_start3A_425 : memref<128x64xf32, #tpu.memory_space<vmem>>) offsets(%dma_start3A_428 : memref<128xi32, #tpu.memory_space<vmem>>) semaphore(%arg11 : memref<!tpu.dma_semaphore, #tpu.memory_space<semaphore_mem>>)
      } else {
      }
    }
    %scan3A_49 = arith.constant 25 : i32
    %dma_wait3A = arith.constant 48 : i32
    %dma_wait3A_50 = arith.constant 0 : i32
    %dma_wait3A_51 = arith.constant 0 : i32
    %dma_wait3A_52 = arith.constant 0 : i32
    %dma_wait3A_53 = tpu.memref_slice %arg4[%dma_wait3A, %dma_wait3A_50, %add3A, %dma_wait3A_51, %dma_wait3A_52] : memref<50x8x32x8x128xf32, #tpu.memory_space<hbm>> -> memref<1x8x1x8x128xf32, #tpu.memory_space<hbm>>
    %dma_wait3A_54 = tpu.memref_squeeze %dma_wait3A_53 : memref<1x8x1x8x128xf32, #tpu.memory_space<hbm>> -> memref<8x8x128xf32, #tpu.memory_space<hbm>>
    %dma_wait3A_55 = arith.constant 0 : i32
    %dma_wait3A_56 = arith.constant 0 : i32
    %dma_wait3A_57 = arith.constant 0 : i32
    %dma_wait3A_58 = tpu.memref_slice %arg4[%dma_wait3A, %dma_wait3A_55, %add3A, %dma_wait3A_56, %dma_wait3A_57] : memref<50x8x32x8x128xf32, #tpu.memory_space<hbm>> -> memref<1x8x1x8x128xf32, #tpu.memory_space<hbm>>
    %dma_wait3A_59 = tpu.memref_squeeze %dma_wait3A_58 : memref<1x8x1x8x128xf32, #tpu.memory_space<hbm>> -> memref<8x8x128xf32, #tpu.memory_space<hbm>>
    tpu.wait_dma2 semaphore(%arg12 : memref<!tpu.dma_semaphore, #tpu.memory_space<semaphore_mem>>) src(%dma_wait3A_59 : memref<8x8x128xf32, #tpu.memory_space<hbm>>) dst(%arg9 : memref<8x8x128xf32, #tpu.memory_space<vmem>>)
    %dma_wait3A_60 = arith.constant 49 : i32
    %dma_wait3A_61 = arith.constant 0 : i32
    %dma_wait3A_62 = arith.constant 0 : i32
    %dma_wait3A_63 = arith.constant 0 : i32
    %dma_wait3A_64 = tpu.memref_slice %arg4[%dma_wait3A_60, %dma_wait3A_61, %add3A, %dma_wait3A_62, %dma_wait3A_63] : memref<50x8x32x8x128xf32, #tpu.memory_space<hbm>> -> memref<1x8x1x8x128xf32, #tpu.memory_space<hbm>>
    %dma_wait3A_65 = tpu.memref_squeeze %dma_wait3A_64 : memref<1x8x1x8x128xf32, #tpu.memory_space<hbm>> -> memref<8x8x128xf32, #tpu.memory_space<hbm>>
    %dma_wait3A_66 = arith.constant 0 : i32
    %dma_wait3A_67 = arith.constant 0 : i32
    %dma_wait3A_68 = arith.constant 0 : i32
    %dma_wait3A_69 = tpu.memref_slice %arg4[%dma_wait3A_60, %dma_wait3A_66, %add3A, %dma_wait3A_67, %dma_wait3A_68] : memref<50x8x32x8x128xf32, #tpu.memory_space<hbm>> -> memref<1x8x1x8x128xf32, #tpu.memory_space<hbm>>
    %dma_wait3A_70 = tpu.memref_squeeze %dma_wait3A_69 : memref<1x8x1x8x128xf32, #tpu.memory_space<hbm>> -> memref<8x8x128xf32, #tpu.memory_space<hbm>>
    tpu.wait_dma2 semaphore(%arg13 : memref<!tpu.dma_semaphore, #tpu.memory_space<semaphore_mem>>) src(%dma_wait3A_70 : memref<8x8x128xf32, #tpu.memory_space<hbm>>) dst(%arg9 : memref<8x8x128xf32, #tpu.memory_space<vmem>>)
    return
  }
}

</mosaic_0001>

<sc_bundles>
// kernel: kernel.3.cloned.1.call-start
scs
__scs_entry_jumppad:
0x0: {  	(pc) =	sbr.rel $0x88, $3  }
0x1: {  	(tag) =	ssettag $0x0;
	lr =	simm.s32 $0x1  }
0x2: {  	[smem:$0x3F9F] =	sst lr;
	_ =	strace $0xD0000000  }
0x3: {  	_ = 	snop  }
0x4: {  	_ = 	snop  }
0x5: {  	_ = 	snop  }
0x6: {  	_ = 	snop  }
0x7: {  	_ = 	snop  }
__scs_overlays_trampoline_lowered:
0x8: {  	[smem:$0x3FAE] =	sst s0  }
0x9: {  	[smem:$0x3FAF] =	sst s1  }
0xa: {  	[smem:$0x3FB0] =	sst s2  }
0xb: {  	[smem:$0x3FB1] =	sst s3  }
0xc: {  	[smem:$0x3FB2] =	sst s4  }
0xd: {  	[smem:$0x3FB3] =	sst s5  }
0xe: {  	[smem:$0x3FB4] =	sst s6  }
0xf: {  	[smem:$0x3FB5] =	sst s7  }
0x10: {  	[smem:$0x3FB6] =	sst s8  }
0x11: {  	[smem:$0x3FB7] =	sst s9;
	s0 =	simm.s32 @!p0 $0x0  }
0x12: {  	s1 =	sld [smem:$0x3F9D];
	s0 =	simm.s32 @p0 $0x1  }
0x13: {  	[smem:$0x3FB8] =	sst s0;
	s0 =	simm.s32 @!p1 $0x0  }
0x14: {  	s2 =	sld [smem:$0x3F9C];
	s0 =	simm.s32 @p1 $0x1  }
0x15: {  	[smem:$0x3FB9] =	sst s0;
	s0 =	simm.s32 @!p2 $0x0  }
0x16: {  	s3 =	sld [smem:$0x3FDB];
	s0 =	simm.s32 @p2 $0x1  }
0x17: {  	s4 =	simm.s32 $0x1BF5;
	[smem:$0x3FBB] =	sst s0  }
0x18: {  	s0 =	sld [smem:$0x3F9E];
	_ =	swait.ge [sflag:s4], $0x0  }
0x19: {  	s7 =	sld [smem:$0x3F9F]  }
0x1a: {  	s8 =	sadd.s32 $0xFFFFE003, lr  }
0x1b: {  	s9 =	sadd.s32 $0xFFFFFEF7, lr;
	s5 =	simm.s32 $0xFFFFFFFF;
	p2 =	slt.u32 s8, $0xFFFFF086  }
0x1c: {  	p1 =	slt.u32 s9, $0xF7A;
	s5 =	simm.s32 @!p2 $0x0  }
0x1d: {  	s5 =	simm.s32 @p1 $0x1;
	p0 =	seq.s32 s7, s2  }
0x1e: {  	s7 =	smul.u32 @!p0 $0xF7A, s2;
	p2 =	seq.s32 @!p0 s5, $0x0  }
0x1f: {  	s9 =	smul.u32 $0xF7A, s1;
	s8 =	simm.s32 @!p0 $0x1BF5;
	p2 =	por !p2, p0  }
0x20: {  	[sflag:s8] =	ssyncset.s32 @!p0 $0xFFFFF086;
	s6 =	sadd.s32 @!p0 s3, s7;
	s7 =	simm.s32 @!p0 $0x108  }
0x21: {  	s3 =	sadd.s32 s3, s9;
	s6 =	sadd.s32 @!p0 $0x88, s6;
	s7 =	simm.s32 @p2 $0x1082  }
0x22: {  	[simem:s7], [sflag:s8] =	dma.local @!p0 [hbm:s6], $0xF7A  }
0x23: {  	s9 =	sor.u32 $0xD0000000, s2;
	s6 =	simm.s32 $0x108;
	_ =	swait.ge @!p0 [sflag:s8], $0x0  }
0x24: {  	s3 =	sadd.s32 $0x88, s3;
	s6 =	simm.s32 @!p1 $0x1082;
	[sflag:s4] =	ssyncset.s32 $0xFFFFF086  }
0x25: {  	[simem:s6], [sflag:s4] =	dma.local [hbm:s3], $0xF7A  }
0x26: {  	[smem:$0x3F9F] =	sst s1;
	(tag) =	ssettag s2;
	_ =	strace s9  }
0x27: {  	s1 =	sld [smem:$0x3FAF]  }
0x28: {  	s2 =	sld [smem:$0x3FB0]  }
0x29: {  	s4 =	sld [smem:$0x3FB2]  }
0x2a: {  	p0 =	seq.s32 s5, $0x0;
	s5 =	sld [smem:$0x3FB3]  }
0x2b: {  	s6 =	sld [smem:$0x3FB4]  }
0x2c: {  	s7 =	sld [smem:$0x3FB5]  }
0x2d: {  	s3 =	simm.s32 $0x108;
	s8 =	sld [smem:$0x3FB6]  }
0x2e: {  	s3 =	simm.s32 @!p0 $0x1082;
	s9 =	sld [smem:$0x3FB7]  }
0x2f: {  	lr =	sadd.s32 s0, s3;
	s0 =	sld [smem:$0x3FAE]  }
0x30: {  	s3 =	sld [smem:$0x3FB1]  }
0x31: {  	[smem:$0x3FBA] =	sst s10  }
0x32: {  	s10 =	sld [smem:$0x3FB8];
	_ =	sdelay $0x3  }
0x33: {  	p0 =	seq.s32 s10, $0x1;
	s10 =	sld [smem:$0x3FBA];
	_ =	sdelay $0x3  }
0x34: {  	[smem:$0x3FBA] =	sst s10  }
0x35: {  	s10 =	sld [smem:$0x3FB9];
	_ =	sdelay $0x3  }
0x36: {  	p1 =	seq.s32 s10, $0x1;
	s10 =	sld [smem:$0x3FBA];
	_ =	sdelay $0x3  }
0x37: {  	[smem:$0x3FBA] =	sst s10  }
0x38: {  	s10 =	sld [smem:$0x3FBB]  }
0x39: {  	_ = 	snop;
	(pc) =	sbr.ind lr, $3  }
0x3a: {  	_ = 	snop  }
0x3b: {  	_ = 	snop  }
0x3c: {  	p2 =	seq.s32 s10, $0x1;
	s10 =	sld [smem:$0x3FBA]  }
0x3d: {  	_ =	shalt  }
0x3e: {  	_ =	shalt  }
0x3f: {  	_ =	shalt  }
0x40: {  	_ =	shalt  }
0x41: {  	_ =	shalt  }
0x42: {  	_ =	shalt  }
0x43: {  	_ =	shalt  }
0x44: {  	_ =	shalt  }
0x45: {  	_ =	shalt  }
0x46: {  	_ =	shalt  }
0x47: {  	_ =	shalt  }
0x48: {  	_ =	shalt  }
0x49: {  	_ =	shalt  }
0x4a: {  	_ =	shalt  }
0x4b: {  	_ =	shalt  }
0x4c: {  	_ =	shalt  }
0x4d: {  	_ =	shalt  }
0x4e: {  	_ =	shalt  }
0x4f: {  	_ =	shalt  }
0x50: {  	_ =	shalt  }
0x51: {  	_ =	shalt  }
0x52: {  	_ =	shalt  }
0x53: {  	_ =	shalt  }
0x54: {  	_ =	shalt  }
0x55: {  	_ =	shalt  }
0x56: {  	_ =	shalt  }
0x57: {  	_ =	shalt  }
0x58: {  	_ =	shalt  }
0x59: {  	_ =	shalt  }
0x5a: {  	_ =	shalt  }
0x5b: {  	_ =	shalt  }
0x5c: {  	_ =	shalt  }
0x5d: {  	_ =	shalt  }
0x5e: {  	_ =	shalt  }
0x5f: {  	_ =	shalt  }
0x60: {  	_ =	shalt  }
0x61: {  	_ =	shalt  }
0x62: {  	_ =	shalt  }
0x63: {  	_ =	shalt  }
0x64: {  	_ =	shalt  }
0x65: {  	_ =	shalt  }
0x66: {  	_ =	shalt  }
0x67: {  	_ =	shalt  }
0x68: {  	_ =	shalt  }
0x69: {  	_ =	shalt  }
0x6a: {  	_ =	shalt  }
0x6b: {  	_ =	shalt  }
0x6c: {  	_ =	shalt  }
0x6d: {  	_ =	shalt  }
0x6e: {  	_ =	shalt  }
0x6f: {  	_ =	shalt  }
0x70: {  	_ =	shalt  }
0x71: {  	_ =	shalt  }
0x72: {  	_ =	shalt  }
0x73: {  	_ =	shalt  }
0x74: {  	_ =	shalt  }
0x75: {  	_ =	shalt  }
0x76: {  	_ =	shalt  }
0x77: {  	_ =	shalt  }
0x78: {  	_ =	shalt  }
0x79: {  	_ =	shalt  }
0x7a: {  	_ =	shalt  }
0x7b: {  	_ =	shalt  }
0x7c: {  	_ =	shalt  }
0x7d: {  	_ =	shalt  }
0x7e: {  	_ =	shalt  }
0x7f: {  	_ =	shalt  }
0x80: {  	_ =	shalt  }
0x81: {  	_ =	shalt  }
0x82: {  	_ =	shalt  }
0x83: {  	_ =	shalt  }
0x84: {  	_ =	shalt  }
0x85: {  	_ =	shalt  }
0x86: {  	_ =	shalt  }
0x87: {  	_ =	shalt  }
.Lfunc_end0:
.L_simem_size_0:
called_computation_lowered:
.L_overlay_start_0:
0x88: {  	s2 =	sld [smem:$0x3FD9]  }
0x89: {  	s3 =	sld [smem:$0x3FFE];
	_ =	sdelay $0x1  }
0x8a: {  	s1 =	srdreg.scid  }
0x8b: {  	s0 =	sand.u32 $0x1, s1  }
0x8c: {  	s17 =	sshll.u32 s0, $0xA;
	s2 =	sadd.s32 s3, s2  }
0x8d: {  	s2 =	sadd.s32 s2, s17  }
0x8e: {  	[smem:$0x3FC6] =	sst s2  }
0x8f: {  	_ = 	snop  }
0x90: {  	s2 =	sld [smem:$0x3FD0];
	(tm) =	ssettm $0x1  }
0x91: {  	s18 =	sld [smem:$0x3FFB];
	_ =	sdelay $0x3  }
0x92: {  	_ =	strace s18  }
0x93: {  	s3 =	sld [smem:$0x3FFC];
	_ =	sdelay $0x3  }
0x94: {  	_ =	strace s3  }
0x95: {  	s3 =	sld [smem:$0x3FFD];
	_ =	sdelay $0x3  }
0x96: {  	_ =	strace s3  }
0x97: {  	_ =	strace $0x8FFFFFFF  }
0x98: {  	s19 =	sld [smem:$0x3FDB];
	_ =	sdelay $0x1  }
0x99: {  	s4 =	simm.s32 $_scs_section_size  }
0x9a: {  	s5 =	simm.s32 $_size__tile_overlayer_lowered;
	s6 =	simm.s32 $_tile_overlayer_lowered  }
0x9b: {  	s22 =	simm.s32 $0x1BFF;
	s21 =	sshll.u32 s6, $0x1;
	s3 =	sadd.s32 s4, s19  }
0x9c: {  	s7 =	simm.s32 $0x0;
	s20 =	sshll.u32 s5, $0x1;
	s5 =	sadd.s32 s21, s3  }
0x9d: {  	[timem:s7], [sflag:s22] =	dma.local [hbm:s5], s20  }
0x9e: {  	_ =	swait.ge [sflag:s22], s20  }
0x9f: {  	s4 =	ssub.s32 $0x0, s20;
	[sflag:s22] =	ssyncset.done $0x0  }
0xa0: {  	[sflag:s22] =	ssyncadd.s32 s4;
	_ =	sdelay $0x1  }
0xa1: {  	s23 =	simm.s32 $0x1B8B  }
0xa2: {  	_ =	swait.ge [sflag:s23], $0x1  }
0xa3: {  	[sflag:s23] =	ssyncset.done $0x0  }
0xa4: {  	s25 =	simm.s32 $0x1B8E;
	s24 =	sld [smem:$0x3FFE];
	[sflag:s23] =	ssyncadd.s32 $0xFFFFFFFF  }
0xa5: {  	s26 =	simm.s32 $execute0_lowered;
	[smem:$0x3FD2] =	sst s25  }
0xa6: {  	s5 =	sshll.u32 s26, $0x1;
	_ =	strace $0x80000046;
	[dreg:$0x1] =	wrdreg $0xFFFFFFFF  }
0xa7: {  	s28 =	simm.s32 $_size_execute0_lowered;
	s3 =	sadd.s32 s3, s5;
	[dreg:$0x0] =	wrdreg $0x0  }
0xa8: {  	s5 =	sshll.u32 s28, $0x1;
	[dreg:$0x2] =	wrdreg s3  }
0xa9: {  	[dreg:$0x3] =	wrdreg s5  }
0xaa: {  	[dreg:$0x4] =	wrdreg $0xC0  }
0xab: {  	_ =	task [dreg:s7], $0x5FFFF  }
0xac: {  	[dreg:$0x1] =	wrdreg $0xFFFFFFFF  }
0xad: {  	[dreg:$0x0] =	wrdreg $0x60  }
0xae: {  	[dreg:$0x2] =	wrdreg s24  }
0xaf: {  	[dreg:$0x3] =	wrdreg s2  }
0xb0: {  	[dreg:$0x4] =	wrdreg $0x9  }
0xb1: {  	_ =	task.clear_ibuf [dreg:s7], $0x5FFFF;
	_ =	strace $0x90000046  }
0xb2: {  	s29 =	simm.s32 $0x9;
	_ =	strace $0x80000048  }
0xb3: {  	_ =	swait.ge [sflag:s29], $0x1  }
0xb4: {  	[sflag:s29] =	ssyncadd.s32 $0xFFFFFFFF  }
0xb5: {  	_ =	strace $0x90000048  }
0xb6: {  	_ =	sfence  }
0xb7: {  	s30 =	sld [smem:$0x0];
	_ =	sdelay $0x2  }
0xb8: {  	s31 =	sshll.u32 s1, $0xD;
	s1 =	sshrl.u32 s1, $0x2  }
0xb9: {  	s3 =	sand.u32 $0x4000, s31;
	s1 =	sadd.s32 s1, s30  }
0xba: {  	s0 =	sor.u32 s3, s0;
	s1 =	sshll.u32 s1, $0x11  }
0xbb: {  	s0 =	sor.u32 s1, s0  }
0xbc: {  	s0 =	sadd.s32 $0x8F2B, s0  }
0xbd: {  	[sflag:s0] =	ssyncadd.remote.s32 $0x1  }
0xbe: {  	_ =	sfence.sel $0xFFFF  }
0xbf: {  	[dreg:$0x0] =	wrdreg $0xFFFFFFFF;
	(pc) =	sbr.abs _section_cstart, $3  }
0xc0: {  	[dreg:$0x1] =	wrdreg $0xFFFFFFFF  }
0xc1: {  	_ =	task.clear_ibuf [dreg:s7], $0x2FFFF;
	_ =	strace $0x9FFFFFFF  }
0xc2: {  	(tm) =	ssettm $0x7FFFFFFF  }
0xc3: {  	_ =	shalt  }
tec
execute0_lowered:
.L_overlay_start_1:
0x0: {  	(tag) =	ssettag $0x1  }
0x1: {  	s0 =	srdreg.scid  }
0x2: {  	s2 =	stileid.u32;
	s1 =	rddreg [dreg:$0x0]  }
0x3: {  	s21 =	rddreg [dreg:$0x1];
	s3 =	simm.s32 $0x0;
	s24 =	simm.s32 $0x1C00  }
0x4: {  	s30 =	simm.s32 $0x1;
	s31 =	simm.s32 $0x7690;
	s23 =	simm.s32 $0x2  }
0x5: {  	s22 =	simm.s32 $0x4;
	s29 =	simm.s32 $0x0;
	s0 =	sand.u32 $0x1, s0  }
0x6: {  	s2 =	sshll.u32 s2, $0x1;
	[smem:$0x7FF] =	sst s3;
	s7 =	sadd.s32 $0x1000, s21  }
0x7: {  	s8 =	sadd.s32 $0x2000, s21;
	s9 =	sadd.s32 $0x3000, s21;
	s10 =	sadd.s32 $0x4000, s21  }
0x8: {  	s11 =	sadd.s32 $0x5000, s21;
	s12 =	sadd.s32 $0x6000, s21;
	s13 =	sadd.s32 $0x7000, s21  }
0x9: {  	s14 =	sadd.s32 $0x8000, s21;
	s15 =	sadd.s32 $0x9000, s21;
	s16 =	sadd.s32 $0xA000, s21  }
0xa: {  	s17 =	sadd.s32 $0xB000, s21;
	s18 =	sadd.s32 $0xC000, s21;
	s2 =	sor.u32 s0, s2  }
0xb: {  	s19 =	sadd.s32 $0xD000, s21;
	s0 =	ssub.s32 $0x2, s0;
	s4 =	smul.u32 $0x380, s2  }
.Ltmp0:
0xc: {  	s20 =	sadd.s32 $0xE000, s21;
	s6 =	sshrl.u32 s0, $0x1;
	(pc) =	sbr.rel .LBB2_1-.Ltmp0, $4  }
0xd: {  	v3 =	vlaneseq.u32;
	s21 =	sadd.s32 $0xF000, s21;
	_ =	strace $0x80000047;
	s0 =	ssub.s32 s0, s6  }
0xe: {  	v0 =	vmul.u32 $0x88, v3;
	s6 =	sshll.u32 s2, $0x7;
	s5 =	sadd.s32 s4, s1;
	s0 =	smax.u32 s0, $0x1  }
0xf: {  	v3 =	vor.u32 $0x30, v3;
	s2 =	simm.s32 $0x9890;
	s28 =	sadd.s32 $0x600, s5;
	[dreg:$0x4] =	wrdreg s0  }
0x10: {  	v1 =	vadd.s32 $0x880, v0;
	v2 =	vadd.s32 $0x1100, v0;
	v4 =	vadd.s32 $0x1980, v0;
	s4 =	sadd.s32 $0xF42A00, s1;
	s1 =	simm.s32 $0x0;
	[dreg:$0x3] =	wrdreg s28  }
.LBB2_10:
0x11: {  	s0 =	simm.s32 $0x3  }
0x12: {  	_ =	swait.ge [sflag:s0], $0x2000  }
0x13: {  	[sflag:s0] =	ssyncset.done $0x0  }
0x14: {  	[sflag:s0] =	ssyncadd.s32 $0xFFFFE000  }
0x15: {  	_ =	swait.ge [sflag:s22], $0x2000  }
0x16: {  	s1 =	rddreg [dreg:$0x5]  }
0x17: {  	s28 =	rddreg [dreg:$0x4];
	s1 =	sadd.s32 $0x1, s1  }
0x18: {  	p0 =	sne.s32 s1, s28  }
.Ltmp1:
0x19: {  	_ = 	snop;
	(pc) =	sbr.rel @!p0 .LBB2_11-.Ltmp1, $3  }
0x1a: {  	_ =	sdelay $0x1  }
0x1b: {  	[sflag:s22] =	ssyncset.done $0x0  }
0x1c: {  	[sflag:s22] =	ssyncadd.s32 $0xFFFFE000  }
.LBB2_1:
0x1d: {  	[dreg:$0x5] =	wrdreg s1  }
0x1e: {  	s0 =	rddreg [dreg:$0x3];
	s26 =	simm.s32 $0x5  }
0x1f: {  	[tilespmem:s3], [sflag:$0x5] =	stream.linear.gather [hbm4b:s0+s3], $0x1C00, $0x38;
	[tilespmem:$0xBA90] =	vst v63  }
0x20: {  	_ =	swait.ge [sflag:s26], $0x1C00  }
0x21: {  	v5 =	vmov s3;
	[sflag:s26] =	ssyncset.done $0x0  }
0x22: {  	s0 =	simm.s32 $0x20;
	v7 =	vand.u32 $0x7F, v5;
	[sflag:s26] =	ssyncadd.s32 $0xFFFFE400  }
0x23: {  	v8 =	vadd.s32 v0, v7;
	v6 =	vld [tilespmem:s0+$0xFFFFFFE0];
	_ =	sdelay $0x4  }
0x24: {  	[tilespmem:v8+s24+$0x0] =	vst.idx.msk $0xffff, v6  }
0x25: {  	v8 =	vadd.s32 v1, v7;
	v6 =	vld [tilespmem:s0+$0xFFFFFFF0];
	_ =	sdelay $0x4  }
0x26: {  	v5 =	vmul.u32 $0x38, v5;
	[tilespmem:v8+s24+$0x0] =	vst.idx.msk $0xffff, v6  }
0x27: {  	v8 =	vadd.s32 v2, v7;
	v6 =	vld [tilespmem:s0+$0x0]  }
0x28: {  	v5 =	vadd.s32 v3, v5;
	_ =	sdelay $0x3  }
0x29: {  	[tilespmem:v8+s24+$0x0] =	vst.idx.msk $0xffff, v6  }
0x2a: {  	v7 =	vadd.s32 v4, v7;
	v6 =	vld.idx.msk [tilespmem:v5+s3+$0x0], $0x3;
	_ =	sdelay $0x2  }
0x2b: {  	s28 =	simm.s32 $0x1  }
0x2c: {  	s1 =	simm.s32 $0x2;
	v5 =	vmov s28  }
.LBB2_2:
0x2d: {  	p0 =	sne.s32 s1, $0x7F;
	v8 =	vand.u32 $0x7F, v5;
	[tilespmem:v7+s24+$0x0] =	vst.idx.msk $0x3, v6;
	s0 =	sadd.s32 $0x38, s0  }
0x2e: {  	v6 =	vld [tilespmem:s0+$0xFFFFFFE0];
	v7 =	vadd.s32 v0, v8;
	_ =	sdelay $0x4  }
0x2f: {  	[tilespmem:v7+s24+$0x0] =	vst.idx.msk $0xffff, v6  }
0x30: {  	v7 =	vadd.s32 v1, v8;
	v6 =	vld [tilespmem:s0+$0xFFFFFFF0];
	_ =	sdelay $0x4  }
0x31: {  	v5 =	vmul.u32 $0x38, v5;
	[tilespmem:v7+s24+$0x0] =	vst.idx.msk $0xffff, v6  }
0x32: {  	v7 =	vadd.s32 v2, v8;
	v6 =	vld [tilespmem:s0+$0x0]  }
0x33: {  	v5 =	vadd.s32 v3, v5;
	_ =	sdelay $0x3  }
0x34: {  	[tilespmem:v7+s24+$0x0] =	vst.idx.msk $0xffff, v6  }
0x35: {  	v6 =	vld.idx.msk [tilespmem:v5+s3+$0x0], $0x3  }
.Ltmp2:
0x36: {  	v7 =	vadd.s32 v4, v8;
	(pc) =	sbr.rel @p0 .LBB2_2-.Ltmp2, $2  }
0x37: {  	_ =	sdelay $0x2  }
0x38: {  	v5 =	vmov s1;
	s1 =	sadd.s32 $0x1, s1  }
0x39: {  	_ =	sdelay $0x3  }
0x3a: {  	v8 =	vand.u32 $0x7F, v5;
	[tilespmem:v7+s24+$0x0] =	vst.idx.msk $0x3, v6;
	s0 =	sadd.s32 $0x38, s0  }
0x3b: {  	v6 =	vld [tilespmem:s0+$0xFFFFFFE0];
	v7 =	vadd.s32 v0, v8;
	_ =	sdelay $0x4  }
0x3c: {  	[tilespmem:v7+s24+$0x0] =	vst.idx.msk $0xffff, v6  }
0x3d: {  	v7 =	vadd.s32 v1, v8;
	v6 =	vld [tilespmem:s0+$0xFFFFFFF0];
	_ =	sdelay $0x4  }
0x3e: {  	v5 =	vmul.u32 $0x38, v5;
	[tilespmem:v7+s24+$0x0] =	vst.idx.msk $0xffff, v6  }
0x3f: {  	v7 =	vadd.s32 v2, v8;
	v6 =	vld [tilespmem:s0+$0x0]  }
0x40: {  	v5 =	vadd.s32 v3, v5;
	_ =	sdelay $0x3  }
0x41: {  	[tilespmem:v7+s24+$0x0] =	vst.idx.msk $0xffff, v6  }
0x42: {  	v6 =	vadd.s32 v4, v8;
	v5 =	vld.idx.msk [tilespmem:v5+s3+$0x0], $0x3;
	_ =	sdelay $0x4  }
0x43: {  	s26 =	simm.s32 $0x80;
	s1 =	simm.s32 $0x3690;
	[tilespmem:v6+s24+$0x0] =	vst.idx.msk $0x3, v5  }
0x44: {  	[tilespmem:s1], [sflag:$0x1] =	stream.indirect.gather [hbm4b:s4+s26], $0x40, s24, s26, $0xb8;
	[tilespmem:$0xBA90] =	vst v63  }
0x45: {  	s28 =	simm.s32 $0x1C88;
	s5 =	simm.s32 $0x5690;
	s1 =	simm.s32 $0x0  }
0x46: {  	[tilespmem:s5], [sflag:$0x2] =	stream.indirect.gather [hbm4b:s4+s26], $0x40, s28, s26, $0xb8;
	[tilespmem:$0xBA90] =	vst v63  }
.LBB2_4:
0x47: {  	p0 =	seq.s32 s1, $0x0  }
0x48: {  	s0 =	simm.s32 @!p0 $0x3  }
0x49: {  	_ =	swait.ge @!p0 [sflag:s0], $0x2000  }
0x4a: {  	[sflag:s0] =	ssyncset.done @!p0 $0x0  }
0x4b: {  	[sflag:s0] =	ssyncadd.s32 @!p0 $0xFFFFE000  }
0x4c: {  	_ =	swait.ge [sflag:s30], $0x2000  }
0x4d: {  	v5 =	vmov s29;
	[sflag:s30] =	ssyncset.done $0x0  }
0x4e: {  	v5 =	vand.u32 $0x7C, v5;
	s0 =	simm.s32 $0x3710;
	[sflag:s30] =	ssyncadd.s32 $0xFFFFE000  }
0x4f: {  	v7 =	vadd.s32 v0, v5;
	v6 =	vld [tilespmem:s0+$0xFFFFFF80];
	_ =	sdelay $0x4  }
0x50: {  	[tilespmem:v7+s31+$0x0] =	vst.idx.msk $0xffff, v6  }
0x51: {  	v7 =	vadd.s32 v1, v5;
	v6 =	vld [tilespmem:s0+$0xFFFFFF90];
	_ =	sdelay $0x4  }
0x52: {  	[tilespmem:v7+s31+$0x0] =	vst.idx.msk $0xffff, v6  }
0x53: {  	v7 =	vadd.s32 v2, v5;
	v6 =	vld [tilespmem:s0+$0xFFFFFFA0];
	_ =	sdelay $0x4  }
0x54: {  	[tilespmem:v7+s31+$0x0] =	vst.idx.msk $0xffff, v6  }
0x55: {  	v5 =	vadd.s32 v4, v5;
	v6 =	vld [tilespmem:s0+$0xFFFFFFB0];
	_ =	sdelay $0x2  }
0x56: {  	s25 =	simm.s32 $0x1  }
0x57: {  	v7 =	vmov s25  }
0x58: {  	[tilespmem:v5+s31+$0x0] =	vst.idx.msk $0xffff, v6;
	v5 =	vand.u32 $0x7D, v7  }
0x59: {  	v6 =	vld [tilespmem:s0+$0xFFFFFFC0];
	v7 =	vadd.s32 v0, v5;
	_ =	sdelay $0x4  }
0x5a: {  	[tilespmem:v7+s31+$0x0] =	vst.idx.msk $0xffff, v6  }
0x5b: {  	v7 =	vadd.s32 v1, v5;
	v6 =	vld [tilespmem:s0+$0xFFFFFFD0];
	_ =	sdelay $0x4  }
0x5c: {  	[tilespmem:v7+s31+$0x0] =	vst.idx.msk $0xffff, v6  }
0x5d: {  	v7 =	vadd.s32 v2, v5;
	v6 =	vld [tilespmem:s0+$0xFFFFFFE0];
	_ =	sdelay $0x4  }
0x5e: {  	[tilespmem:v7+s31+$0x0] =	vst.idx.msk $0xffff, v6  }
0x5f: {  	v5 =	vadd.s32 v4, v5;
	v6 =	vld [tilespmem:s0+$0xFFFFFFF0];
	_ =	sdelay $0x2  }
0x60: {  	s26 =	simm.s32 $0x2  }
0x61: {  	v7 =	vmov s26  }
0x62: {  	[tilespmem:v5+s31+$0x0] =	vst.idx.msk $0xffff, v6;
	v5 =	vand.u32 $0x7E, v7  }
0x63: {  	v6 =	vld [tilespmem:s0+$0x0];
	v7 =	vadd.s32 v0, v5;
	_ =	sdelay $0x4  }
0x64: {  	[tilespmem:v7+s31+$0x0] =	vst.idx.msk $0xffff, v6  }
0x65: {  	v7 =	vadd.s32 v1, v5;
	v6 =	vld [tilespmem:s0+$0x10];
	_ =	sdelay $0x4  }
0x66: {  	[tilespmem:v7+s31+$0x0] =	vst.idx.msk $0xffff, v6  }
0x67: {  	v7 =	vadd.s32 v2, v5;
	v6 =	vld [tilespmem:s0+$0x20];
	_ =	sdelay $0x4  }
0x68: {  	[tilespmem:v7+s31+$0x0] =	vst.idx.msk $0xffff, v6  }
0x69: {  	v5 =	vadd.s32 v4, v5;
	v6 =	vld [tilespmem:s0+$0x30];
	_ =	sdelay $0x2  }
0x6a: {  	s28 =	simm.s32 $0x3  }
0x6b: {  	v7 =	vmov s28  }
0x6c: {  	[tilespmem:v5+s31+$0x0] =	vst.idx.msk $0xffff, v6;
	v6 =	vand.u32 $0x7F, v7  }
0x6d: {  	v5 =	vld [tilespmem:s0+$0x40];
	v7 =	vadd.s32 v0, v6;
	_ =	sdelay $0x4  }
0x6e: {  	[tilespmem:v7+s31+$0x0] =	vst.idx.msk $0xffff, v5  }
0x6f: {  	v7 =	vadd.s32 v1, v6;
	v5 =	vld [tilespmem:s0+$0x50];
	_ =	sdelay $0x4  }
0x70: {  	[tilespmem:v7+s31+$0x0] =	vst.idx.msk $0xffff, v5  }
0x71: {  	v7 =	vadd.s32 v2, v6;
	v5 =	vld [tilespmem:s0+$0x60];
	_ =	sdelay $0x4  }
0x72: {  	[tilespmem:v7+s31+$0x0] =	vst.idx.msk $0xffff, v5  }
0x73: {  	v6 =	vadd.s32 v4, v6;
	v5 =	vld [tilespmem:s0+$0x70];
	_ =	sdelay $0x2  }
0x74: {  	s25 =	simm.s32 $0x4  }
0x75: {  	s26 =	simm.s32 $0x8;
	v7 =	vmov s25  }
.LBB2_5:
0x76: {  	p0 =	sne.s32 s26, $0x7C;
	v7 =	vand.u32 $0x7C, v7;
	[tilespmem:v6+s31+$0x0] =	vst.idx.msk $0xffff, v5;
	s0 =	sadd.s32 $0x100, s0  }
0x77: {  	v5 =	vld [tilespmem:s0+$0xFFFFFF80];
	v6 =	vadd.s32 v0, v7;
	_ =	sdelay $0x4  }
0x78: {  	[tilespmem:v6+s31+$0x0] =	vst.idx.msk $0xffff, v5  }
0x79: {  	v6 =	vadd.s32 v1, v7;
	v5 =	vld [tilespmem:s0+$0xFFFFFF90];
	_ =	sdelay $0x4  }
0x7a: {  	[tilespmem:v6+s31+$0x0] =	vst.idx.msk $0xffff, v5  }
0x7b: {  	v6 =	vadd.s32 v2, v7;
	v5 =	vld [tilespmem:s0+$0xFFFFFFA0];
	_ =	sdelay $0x4  }
0x7c: {  	[tilespmem:v6+s31+$0x0] =	vst.idx.msk $0xffff, v5  }
0x7d: {  	v6 =	vadd.s32 v4, v7;
	v5 =	vld [tilespmem:s0+$0xFFFFFFB0];
	_ =	sdelay $0x2  }
0x7e: {  	s28 =	sadd.s32 $0x1, s25  }
0x7f: {  	v7 =	vmov s28  }
0x80: {  	[tilespmem:v6+s31+$0x0] =	vst.idx.msk $0xffff, v5;
	v5 =	vand.u32 $0x7D, v7  }
0x81: {  	v6 =	vld [tilespmem:s0+$0xFFFFFFC0];
	v7 =	vadd.s32 v0, v5;
	_ =	sdelay $0x4  }
0x82: {  	[tilespmem:v7+s31+$0x0] =	vst.idx.msk $0xffff, v6  }
0x83: {  	v7 =	vadd.s32 v1, v5;
	v6 =	vld [tilespmem:s0+$0xFFFFFFD0];
	_ =	sdelay $0x4  }
0x84: {  	[tilespmem:v7+s31+$0x0] =	vst.idx.msk $0xffff, v6  }
0x85: {  	v7 =	vadd.s32 v2, v5;
	v6 =	vld [tilespmem:s0+$0xFFFFFFE0];
	_ =	sdelay $0x4  }
0x86: {  	[tilespmem:v7+s31+$0x0] =	vst.idx.msk $0xffff, v6  }
0x87: {  	v5 =	vadd.s32 v4, v5;
	v6 =	vld [tilespmem:s0+$0xFFFFFFF0];
	_ =	sdelay $0x2  }
0x88: {  	s28 =	sadd.s32 $0x2, s25  }
0x89: {  	v7 =	vmov s28  }
0x8a: {  	[tilespmem:v5+s31+$0x0] =	vst.idx.msk $0xffff, v6;
	v5 =	vand.u32 $0x7E, v7  }
0x8b: {  	v6 =	vld [tilespmem:s0+$0x0];
	v7 =	vadd.s32 v0, v5;
	_ =	sdelay $0x4  }
0x8c: {  	[tilespmem:v7+s31+$0x0] =	vst.idx.msk $0xffff, v6  }
0x8d: {  	v7 =	vadd.s32 v1, v5;
	v6 =	vld [tilespmem:s0+$0x10];
	_ =	sdelay $0x4  }
0x8e: {  	[tilespmem:v7+s31+$0x0] =	vst.idx.msk $0xffff, v6  }
0x8f: {  	v7 =	vadd.s32 v2, v5;
	v6 =	vld [tilespmem:s0+$0x20];
	_ =	sdelay $0x4  }
0x90: {  	[tilespmem:v7+s31+$0x0] =	vst.idx.msk $0xffff, v6  }
0x91: {  	v5 =	vadd.s32 v4, v5;
	v6 =	vld [tilespmem:s0+$0x30];
	_ =	sdelay $0x2  }
0x92: {  	s28 =	sadd.s32 $0x3, s25;
	s25 =	smov.u32 s26  }
0x93: {  	v7 =	vmov s28  }
0x94: {  	[tilespmem:v5+s31+$0x0] =	vst.idx.msk $0xffff, v6;
	v6 =	vand.u32 $0x7F, v7  }
0x95: {  	v5 =	vld [tilespmem:s0+$0x40];
	v7 =	vadd.s32 v0, v6;
	_ =	sdelay $0x4  }
0x96: {  	[tilespmem:v7+s31+$0x0] =	vst.idx.msk $0xffff, v5  }
0x97: {  	v7 =	vadd.s32 v1, v6;
	v5 =	vld [tilespmem:s0+$0x50];
	_ =	sdelay $0x4  }
0x98: {  	[tilespmem:v7+s31+$0x0] =	vst.idx.msk $0xffff, v5  }
0x99: {  	v7 =	vadd.s32 v2, v6;
	v5 =	vld [tilespmem:s0+$0x60];
	_ =	sdelay $0x4  }
0x9a: {  	[tilespmem:v7+s31+$0x0] =	vst.idx.msk $0xffff, v5  }
.Ltmp3:
0x9b: {  	v6 =	vadd.s32 v4, v6;
	v5 =	vld [tilespmem:s0+$0x70];
	(pc) =	sbr.rel @p0 .LBB2_5-.Ltmp3, $2  }
0x9c: {  	_ =	sdelay $0x2  }
0x9d: {  	s26 =	sadd.s32 $0x4, s26;
	v7 =	vmov s25  }
0x9e: {  	_ =	sdelay $0x3  }
0x9f: {  	v7 =	vand.u32 $0x7C, v7;
	[tilespmem:v6+s31+$0x0] =	vst.idx.msk $0xffff, v5;
	s0 =	sadd.s32 $0x100, s0  }
0xa0: {  	v5 =	vld [tilespmem:s0+$0xFFFFFF80];
	v6 =	vadd.s32 v0, v7;
	_ =	sdelay $0x4  }
0xa1: {  	[tilespmem:v6+s31+$0x0] =	vst.idx.msk $0xffff, v5  }
0xa2: {  	v6 =	vadd.s32 v1, v7;
	v5 =	vld [tilespmem:s0+$0xFFFFFF90];
	_ =	sdelay $0x4  }
0xa3: {  	[tilespmem:v6+s31+$0x0] =	vst.idx.msk $0xffff, v5  }
0xa4: {  	v6 =	vadd.s32 v2, v7;
	v5 =	vld [tilespmem:s0+$0xFFFFFFA0];
	_ =	sdelay $0x4  }
0xa5: {  	[tilespmem:v6+s31+$0x0] =	vst.idx.msk $0xffff, v5  }
0xa6: {  	v6 =	vadd.s32 v4, v7;
	v5 =	vld [tilespmem:s0+$0xFFFFFFB0];
	_ =	sdelay $0x2  }
0xa7: {  	s26 =	sadd.s32 $0x1, s25  }
0xa8: {  	v7 =	vmov s26  }
0xa9: {  	[tilespmem:v6+s31+$0x0] =	vst.idx.msk $0xffff, v5;
	v5 =	vand.u32 $0x7D, v7  }
0xaa: {  	v6 =	vld [tilespmem:s0+$0xFFFFFFC0];
	v7 =	vadd.s32 v0, v5;
	_ =	sdelay $0x4  }
0xab: {  	[tilespmem:v7+s31+$0x0] =	vst.idx.msk $0xffff, v6  }
0xac: {  	v7 =	vadd.s32 v1, v5;
	v6 =	vld [tilespmem:s0+$0xFFFFFFD0];
	_ =	sdelay $0x4  }
0xad: {  	[tilespmem:v7+s31+$0x0] =	vst.idx.msk $0xffff, v6  }
0xae: {  	v7 =	vadd.s32 v2, v5;
	v6 =	vld [tilespmem:s0+$0xFFFFFFE0];
	_ =	sdelay $0x4  }
0xaf: {  	[tilespmem:v7+s31+$0x0] =	vst.idx.msk $0xffff, v6  }
0xb0: {  	v5 =	vadd.s32 v4, v5;
	v6 =	vld [tilespmem:s0+$0xFFFFFFF0];
	_ =	sdelay $0x2  }
0xb1: {  	s5 =	sadd.s32 $0x2, s25  }
0xb2: {  	v7 =	vmov s5  }
0xb3: {  	[tilespmem:v5+s31+$0x0] =	vst.idx.msk $0xffff, v6;
	v5 =	vand.u32 $0x7E, v7  }
0xb4: {  	v6 =	vld [tilespmem:s0+$0x0];
	v7 =	vadd.s32 v0, v5;
	_ =	sdelay $0x4  }
0xb5: {  	[tilespmem:v7+s31+$0x0] =	vst.idx.msk $0xffff, v6  }
0xb6: {  	v7 =	vadd.s32 v1, v5;
	v6 =	vld [tilespmem:s0+$0x10];
	_ =	sdelay $0x4  }
0xb7: {  	[tilespmem:v7+s31+$0x0] =	vst.idx.msk $0xffff, v6  }
0xb8: {  	v7 =	vadd.s32 v2, v5;
	v6 =	vld [tilespmem:s0+$0x20];
	_ =	sdelay $0x4  }
0xb9: {  	[tilespmem:v7+s31+$0x0] =	vst.idx.msk $0xffff, v6  }
0xba: {  	v5 =	vadd.s32 v4, v5;
	v6 =	vld [tilespmem:s0+$0x30];
	_ =	sdelay $0x2  }
0xbb: {  	s5 =	sadd.s32 $0x3, s25  }
0xbc: {  	v7 =	vmov s5  }
0xbd: {  	[tilespmem:v5+s31+$0x0] =	vst.idx.msk $0xffff, v6;
	v5 =	vand.u32 $0x7F, v7  }
0xbe: {  	v6 =	vld [tilespmem:s0+$0x40];
	v7 =	vadd.s32 v0, v5;
	_ =	sdelay $0x4  }
0xbf: {  	[tilespmem:v7+s31+$0x0] =	vst.idx.msk $0xffff, v6  }
0xc0: {  	v7 =	vadd.s32 v1, v5;
	v6 =	vld [tilespmem:s0+$0x50];
	_ =	sdelay $0x4  }
0xc1: {  	[tilespmem:v7+s31+$0x0] =	vst.idx.msk $0xffff, v6  }
0xc2: {  	v7 =	vadd.s32 v2, v5;
	v6 =	vld [tilespmem:s0+$0x60];
	_ =	sdelay $0x4  }
0xc3: {  	[tilespmem:v7+s31+$0x0] =	vst.idx.msk $0xffff, v6  }
0xc4: {  	v5 =	vadd.s32 v4, v5;
	v6 =	vld [tilespmem:s0+$0x70];
	_ =	sdelay $0x2  }
0xc5: {  	s25 =	sshll.u32 s1, $0x10  }
0xc6: {  	s5 =	rddreg [dreg:$0x1];
	s0 =	sor.u32 s6, s25  }
0xc7: {  	s25 =	sadd.s32 s5, s0;
	[tilespmem:v5+s31+$0x0] =	vst.idx.msk $0xffff, v6  }
0xc8: {  	[hbm4b:s25+s3] =	stream.linear.scatter [tilespmem:s31], [sflag:$0x3], $0x80, $0x38;
	[tilespmem:$0xBA90] =	vst v63  }
0xc9: {  	s5 =	simm.s32 $0x7718;
	s26 =	sadd.s32 $0x10, s25  }
0xca: {  	[hbm4b:s26+s3] =	stream.linear.scatter [tilespmem:s5], [sflag:$0x3], $0x80, $0x38;
	[tilespmem:$0xBA90] =	vst v63  }
0xcb: {  	s26 =	sadd.s32 $0x20, s25;
	s5 =	simm.s32 $0x77A0  }
0xcc: {  	[hbm4b:s26+s3] =	stream.linear.scatter [tilespmem:s5], [sflag:$0x3], $0x80, $0x38;
	[tilespmem:$0xBA90] =	vst v63  }
0xcd: {  	s26 =	sadd.s32 $0x30, s25;
	s5 =	simm.s32 $0x7828  }
0xce: {  	[hbm4b:s26+s3] =	stream.linear.scatter [tilespmem:s5], [sflag:$0x3], $0x80, $0x38;
	[tilespmem:$0xBA90] =	vst v63  }
0xcf: {  	s26 =	sadd.s32 $0x40, s25;
	s5 =	simm.s32 $0x78B0  }
0xd0: {  	[hbm4b:s26+s3] =	stream.linear.scatter [tilespmem:s5], [sflag:$0x3], $0x80, $0x38;
	[tilespmem:$0xBA90] =	vst v63  }
0xd1: {  	s26 =	sadd.s32 $0x50, s25;
	s5 =	simm.s32 $0x7938  }
0xd2: {  	[hbm4b:s26+s3] =	stream.linear.scatter [tilespmem:s5], [sflag:$0x3], $0x80, $0x38;
	[tilespmem:$0xBA90] =	vst v63  }
0xd3: {  	s26 =	sadd.s32 $0x60, s25;
	s5 =	simm.s32 $0x79C0  }
0xd4: {  	[hbm4b:s26+s3] =	stream.linear.scatter [tilespmem:s5], [sflag:$0x3], $0x80, $0x38;
	[tilespmem:$0xBA90] =	vst v63  }
0xd5: {  	s25 =	sadd.s32 $0x70, s25;
	s26 =	simm.s32 $0x7A48  }
0xd6: {  	[hbm4b:s25+s3] =	stream.linear.scatter [tilespmem:s26], [sflag:$0x3], $0x80, $0x38;
	[tilespmem:$0xBA90] =	vst v63  }
0xd7: {  	s25 =	sadd.s32 s0, s7;
	s26 =	simm.s32 $0x7AD0  }
0xd8: {  	[hbm4b:s25+s3] =	stream.linear.scatter [tilespmem:s26], [sflag:$0x3], $0x80, $0x38;
	[tilespmem:$0xBA90] =	vst v63  }
0xd9: {  	s5 =	simm.s32 $0x7B58;
	s26 =	sadd.s32 $0x10, s25  }
0xda: {  	[hbm4b:s26+s3] =	stream.linear.scatter [tilespmem:s5], [sflag:$0x3], $0x80, $0x38;
	[tilespmem:$0xBA90] =	vst v63  }
0xdb: {  	s26 =	sadd.s32 $0x20, s25;
	s5 =	simm.s32 $0x7BE0  }
0xdc: {  	[hbm4b:s26+s3] =	stream.linear.scatter [tilespmem:s5], [sflag:$0x3], $0x80, $0x38;
	[tilespmem:$0xBA90] =	vst v63  }
0xdd: {  	s26 =	sadd.s32 $0x30, s25;
	s5 =	simm.s32 $0x7C68  }
0xde: {  	[hbm4b:s26+s3] =	stream.linear.scatter [tilespmem:s5], [sflag:$0x3], $0x80, $0x38;
	[tilespmem:$0xBA90] =	vst v63  }
0xdf: {  	s26 =	sadd.s32 $0x40, s25;
	s5 =	simm.s32 $0x7CF0  }
0xe0: {  	[hbm4b:s26+s3] =	stream.linear.scatter [tilespmem:s5], [sflag:$0x3], $0x80, $0x38;
	[tilespmem:$0xBA90] =	vst v63  }
0xe1: {  	s26 =	sadd.s32 $0x50, s25;
	s5 =	simm.s32 $0x7D78  }
0xe2: {  	[hbm4b:s26+s3] =	stream.linear.scatter [tilespmem:s5], [sflag:$0x3], $0x80, $0x38;
	[tilespmem:$0xBA90] =	vst v63  }
0xe3: {  	s26 =	sadd.s32 $0x60, s25;
	s5 =	simm.s32 $0x7E00  }
0xe4: {  	[hbm4b:s26+s3] =	stream.linear.scatter [tilespmem:s5], [sflag:$0x3], $0x80, $0x38;
	[tilespmem:$0xBA90] =	vst v63  }
0xe5: {  	s25 =	sadd.s32 $0x70, s25;
	s26 =	simm.s32 $0x7E88  }
0xe6: {  	[hbm4b:s25+s3] =	stream.linear.scatter [tilespmem:s26], [sflag:$0x3], $0x80, $0x38;
	[tilespmem:$0xBA90] =	vst v63  }
0xe7: {  	s25 =	sadd.s32 s0, s8;
	s26 =	simm.s32 $0x7F10  }
0xe8: {  	[hbm4b:s25+s3] =	stream.linear.scatter [tilespmem:s26], [sflag:$0x3], $0x80, $0x38;
	[tilespmem:$0xBA90] =	vst v63  }
0xe9: {  	s5 =	simm.s32 $0x7F98;
	s26 =	sadd.s32 $0x10, s25  }
0xea: {  	[hbm4b:s26+s3] =	stream.linear.scatter [tilespmem:s5], [sflag:$0x3], $0x80, $0x38;
	[tilespmem:$0xBA90] =	vst v63  }
0xeb: {  	s26 =	sadd.s32 $0x20, s25;
	s5 =	simm.s32 $0x8020  }
0xec: {  	[hbm4b:s26+s3] =	stream.linear.scatter [tilespmem:s5], [sflag:$0x3], $0x80, $0x38;
	[tilespmem:$0xBA90] =	vst v63  }
0xed: {  	s26 =	sadd.s32 $0x30, s25;
	s5 =	simm.s32 $0x80A8  }
0xee: {  	[hbm4b:s26+s3] =	stream.linear.scatter [tilespmem:s5], [sflag:$0x3], $0x80, $0x38;
	[tilespmem:$0xBA90] =	vst v63  }
0xef: {  	s26 =	sadd.s32 $0x40, s25;
	s5 =	simm.s32 $0x8130  }
0xf0: {  	[hbm4b:s26+s3] =	stream.linear.scatter [tilespmem:s5], [sflag:$0x3], $0x80, $0x38;
	[tilespmem:$0xBA90] =	vst v63  }
0xf1: {  	s26 =	sadd.s32 $0x50, s25;
	s5 =	simm.s32 $0x81B8  }
0xf2: {  	[hbm4b:s26+s3] =	stream.linear.scatter [tilespmem:s5], [sflag:$0x3], $0x80, $0x38;
	[tilespmem:$0xBA90] =	vst v63  }
0xf3: {  	s26 =	sadd.s32 $0x60, s25;
	s5 =	simm.s32 $0x8240  }
0xf4: {  	[hbm4b:s26+s3] =	stream.linear.scatter [tilespmem:s5], [sflag:$0x3], $0x80, $0x38;
	[tilespmem:$0xBA90] =	vst v63  }
0xf5: {  	s25 =	sadd.s32 $0x70, s25;
	s26 =	simm.s32 $0x82C8  }
0xf6: {  	[hbm4b:s25+s3] =	stream.linear.scatter [tilespmem:s26], [sflag:$0x3], $0x80, $0x38;
	[tilespmem:$0xBA90] =	vst v63  }
0xf7: {  	s25 =	sadd.s32 s0, s9;
	s26 =	simm.s32 $0x8350  }
0xf8: {  	[hbm4b:s25+s3] =	stream.linear.scatter [tilespmem:s26], [sflag:$0x3], $0x80, $0x38;
	[tilespmem:$0xBA90] =	vst v63  }
0xf9: {  	s5 =	simm.s32 $0x83D8;
	s26 =	sadd.s32 $0x10, s25  }
0xfa: {  	[hbm4b:s26+s3] =	stream.linear.scatter [tilespmem:s5], [sflag:$0x3], $0x80, $0x38;
	[tilespmem:$0xBA90] =	vst v63  }
0xfb: {  	s26 =	sadd.s32 $0x20, s25;
	s5 =	simm.s32 $0x8460  }
0xfc: {  	[hbm4b:s26+s3] =	stream.linear.scatter [tilespmem:s5], [sflag:$0x3], $0x80, $0x38;
	[tilespmem:$0xBA90] =	vst v63  }
0xfd: {  	s26 =	sadd.s32 $0x30, s25;
	s5 =	simm.s32 $0x84E8  }
0xfe: {  	[hbm4b:s26+s3] =	stream.linear.scatter [tilespmem:s5], [sflag:$0x3], $0x80, $0x38;
	[tilespmem:$0xBA90] =	vst v63  }
0xff: {  	s26 =	sadd.s32 $0x40, s25;
	s5 =	simm.s32 $0x8570  }
0x100: {  	[hbm4b:s26+s3] =	stream.linear.scatter [tilespmem:s5], [sflag:$0x3], $0x80, $0x38;
	[tilespmem:$0xBA90] =	vst v63  }
0x101: {  	s26 =	sadd.s32 $0x50, s25;
	s5 =	simm.s32 $0x85F8  }
0x102: {  	[hbm4b:s26+s3] =	stream.linear.scatter [tilespmem:s5], [sflag:$0x3], $0x80, $0x38;
	[tilespmem:$0xBA90] =	vst v63  }
0x103: {  	s26 =	sadd.s32 $0x60, s25;
	s5 =	simm.s32 $0x8680  }
0x104: {  	[hbm4b:s26+s3] =	stream.linear.scatter [tilespmem:s5], [sflag:$0x3], $0x80, $0x38;
	[tilespmem:$0xBA90] =	vst v63  }
0x105: {  	s25 =	sadd.s32 $0x70, s25;
	s26 =	simm.s32 $0x8708  }
0x106: {  	[hbm4b:s25+s3] =	stream.linear.scatter [tilespmem:s26], [sflag:$0x3], $0x80, $0x38;
	[tilespmem:$0xBA90] =	vst v63  }
0x107: {  	s25 =	sadd.s32 s0, s10;
	s26 =	simm.s32 $0x8790  }
0x108: {  	[hbm4b:s25+s3] =	stream.linear.scatter [tilespmem:s26], [sflag:$0x3], $0x80, $0x38;
	[tilespmem:$0xBA90] =	vst v63  }
0x109: {  	s5 =	simm.s32 $0x8818;
	s26 =	sadd.s32 $0x10, s25  }
0x10a: {  	[hbm4b:s26+s3] =	stream.linear.scatter [tilespmem:s5], [sflag:$0x3], $0x80, $0x38;
	[tilespmem:$0xBA90] =	vst v63  }
0x10b: {  	s26 =	sadd.s32 $0x20, s25;
	s5 =	simm.s32 $0x88A0  }
0x10c: {  	[hbm4b:s26+s3] =	stream.linear.scatter [tilespmem:s5], [sflag:$0x3], $0x80, $0x38;
	[tilespmem:$0xBA90] =	vst v63  }
0x10d: {  	s26 =	sadd.s32 $0x30, s25;
	s5 =	simm.s32 $0x8928  }
0x10e: {  	[hbm4b:s26+s3] =	stream.linear.scatter [tilespmem:s5], [sflag:$0x3], $0x80, $0x38;
	[tilespmem:$0xBA90] =	vst v63  }
0x10f: {  	s26 =	sadd.s32 $0x40, s25;
	s5 =	simm.s32 $0x89B0  }
0x110: {  	[hbm4b:s26+s3] =	stream.linear.scatter [tilespmem:s5], [sflag:$0x3], $0x80, $0x38;
	[tilespmem:$0xBA90] =	vst v63  }
0x111: {  	s26 =	sadd.s32 $0x50, s25;
	s5 =	simm.s32 $0x8A38  }
0x112: {  	[hbm4b:s26+s3] =	stream.linear.scatter [tilespmem:s5], [sflag:$0x3], $0x80, $0x38;
	[tilespmem:$0xBA90] =	vst v63  }
0x113: {  	s26 =	sadd.s32 $0x60, s25;
	s5 =	simm.s32 $0x8AC0  }
0x114: {  	[hbm4b:s26+s3] =	stream.linear.scatter [tilespmem:s5], [sflag:$0x3], $0x80, $0x38;
	[tilespmem:$0xBA90] =	vst v63  }
0x115: {  	s25 =	sadd.s32 $0x70, s25;
	s26 =	simm.s32 $0x8B48  }
0x116: {  	[hbm4b:s25+s3] =	stream.linear.scatter [tilespmem:s26], [sflag:$0x3], $0x80, $0x38;
	[tilespmem:$0xBA90] =	vst v63  }
0x117: {  	s25 =	sadd.s32 s0, s11;
	s26 =	simm.s32 $0x8BD0  }
0x118: {  	[hbm4b:s25+s3] =	stream.linear.scatter [tilespmem:s26], [sflag:$0x3], $0x80, $0x38;
	[tilespmem:$0xBA90] =	vst v63  }
0x119: {  	s5 =	simm.s32 $0x8C58;
	s26 =	sadd.s32 $0x10, s25  }
0x11a: {  	[hbm4b:s26+s3] =	stream.linear.scatter [tilespmem:s5], [sflag:$0x3], $0x80, $0x38;
	[tilespmem:$0xBA90] =	vst v63  }
0x11b: {  	s26 =	sadd.s32 $0x20, s25;
	s5 =	simm.s32 $0x8CE0  }
0x11c: {  	[hbm4b:s26+s3] =	stream.linear.scatter [tilespmem:s5], [sflag:$0x3], $0x80, $0x38;
	[tilespmem:$0xBA90] =	vst v63  }
0x11d: {  	s26 =	sadd.s32 $0x30, s25;
	s5 =	simm.s32 $0x8D68  }
0x11e: {  	[hbm4b:s26+s3] =	stream.linear.scatter [tilespmem:s5], [sflag:$0x3], $0x80, $0x38;
	[tilespmem:$0xBA90] =	vst v63  }
0x11f: {  	s26 =	sadd.s32 $0x40, s25;
	s5 =	simm.s32 $0x8DF0  }
0x120: {  	[hbm4b:s26+s3] =	stream.linear.scatter [tilespmem:s5], [sflag:$0x3], $0x80, $0x38;
	[tilespmem:$0xBA90] =	vst v63  }
0x121: {  	s26 =	sadd.s32 $0x50, s25;
	s5 =	simm.s32 $0x8E78  }
0x122: {  	[hbm4b:s26+s3] =	stream.linear.scatter [tilespmem:s5], [sflag:$0x3], $0x80, $0x38;
	[tilespmem:$0xBA90] =	vst v63  }
0x123: {  	s26 =	sadd.s32 $0x60, s25;
	s5 =	simm.s32 $0x8F00  }
0x124: {  	[hbm4b:s26+s3] =	stream.linear.scatter [tilespmem:s5], [sflag:$0x3], $0x80, $0x38;
	[tilespmem:$0xBA90] =	vst v63  }
0x125: {  	s25 =	sadd.s32 $0x70, s25;
	s26 =	simm.s32 $0x8F88  }
0x126: {  	[hbm4b:s25+s3] =	stream.linear.scatter [tilespmem:s26], [sflag:$0x3], $0x80, $0x38;
	[tilespmem:$0xBA90] =	vst v63  }
0x127: {  	s25 =	sadd.s32 s0, s12;
	s26 =	simm.s32 $0x9010  }
0x128: {  	[hbm4b:s25+s3] =	stream.linear.scatter [tilespmem:s26], [sflag:$0x3], $0x80, $0x38;
	[tilespmem:$0xBA90] =	vst v63  }
0x129: {  	s5 =	simm.s32 $0x9098;
	s26 =	sadd.s32 $0x10, s25  }
0x12a: {  	[hbm4b:s26+s3] =	stream.linear.scatter [tilespmem:s5], [sflag:$0x3], $0x80, $0x38;
	[tilespmem:$0xBA90] =	vst v63  }
0x12b: {  	s26 =	sadd.s32 $0x20, s25;
	s5 =	simm.s32 $0x9120  }
0x12c: {  	[hbm4b:s26+s3] =	stream.linear.scatter [tilespmem:s5], [sflag:$0x3], $0x80, $0x38;
	[tilespmem:$0xBA90] =	vst v63  }
0x12d: {  	s26 =	sadd.s32 $0x30, s25;
	s5 =	simm.s32 $0x91A8  }
0x12e: {  	[hbm4b:s26+s3] =	stream.linear.scatter [tilespmem:s5], [sflag:$0x3], $0x80, $0x38;
	[tilespmem:$0xBA90] =	vst v63  }
0x12f: {  	s26 =	sadd.s32 $0x40, s25;
	s5 =	simm.s32 $0x9230  }
0x130: {  	[hbm4b:s26+s3] =	stream.linear.scatter [tilespmem:s5], [sflag:$0x3], $0x80, $0x38;
	[tilespmem:$0xBA90] =	vst v63  }
0x131: {  	s26 =	sadd.s32 $0x50, s25;
	s5 =	simm.s32 $0x92B8  }
0x132: {  	[hbm4b:s26+s3] =	stream.linear.scatter [tilespmem:s5], [sflag:$0x3], $0x80, $0x38;
	[tilespmem:$0xBA90] =	vst v63  }
0x133: {  	s26 =	sadd.s32 $0x60, s25;
	s5 =	simm.s32 $0x9340  }
0x134: {  	[hbm4b:s26+s3] =	stream.linear.scatter [tilespmem:s5], [sflag:$0x3], $0x80, $0x38;
	[tilespmem:$0xBA90] =	vst v63  }
0x135: {  	s25 =	sadd.s32 $0x70, s25;
	s26 =	simm.s32 $0x93C8  }
0x136: {  	[hbm4b:s25+s3] =	stream.linear.scatter [tilespmem:s26], [sflag:$0x3], $0x80, $0x38;
	[tilespmem:$0xBA90] =	vst v63  }
0x137: {  	s25 =	sadd.s32 s0, s13;
	s26 =	simm.s32 $0x9450  }
0x138: {  	[hbm4b:s25+s3] =	stream.linear.scatter [tilespmem:s26], [sflag:$0x3], $0x80, $0x38;
	[tilespmem:$0xBA90] =	vst v63  }
0x139: {  	s5 =	simm.s32 $0x94D8;
	s26 =	sadd.s32 $0x10, s25  }
0x13a: {  	[hbm4b:s26+s3] =	stream.linear.scatter [tilespmem:s5], [sflag:$0x3], $0x80, $0x38;
	[tilespmem:$0xBA90] =	vst v63  }
0x13b: {  	s26 =	sadd.s32 $0x20, s25;
	s5 =	simm.s32 $0x9560  }
0x13c: {  	[hbm4b:s26+s3] =	stream.linear.scatter [tilespmem:s5], [sflag:$0x3], $0x80, $0x38;
	[tilespmem:$0xBA90] =	vst v63  }
0x13d: {  	s26 =	sadd.s32 $0x30, s25;
	s5 =	simm.s32 $0x95E8  }
0x13e: {  	[hbm4b:s26+s3] =	stream.linear.scatter [tilespmem:s5], [sflag:$0x3], $0x80, $0x38;
	[tilespmem:$0xBA90] =	vst v63  }
0x13f: {  	s26 =	sadd.s32 $0x40, s25;
	s5 =	simm.s32 $0x9670  }
0x140: {  	[hbm4b:s26+s3] =	stream.linear.scatter [tilespmem:s5], [sflag:$0x3], $0x80, $0x38;
	[tilespmem:$0xBA90] =	vst v63  }
0x141: {  	s26 =	sadd.s32 $0x50, s25;
	s5 =	simm.s32 $0x96F8  }
0x142: {  	[hbm4b:s26+s3] =	stream.linear.scatter [tilespmem:s5], [sflag:$0x3], $0x80, $0x38;
	[tilespmem:$0xBA90] =	vst v63  }
0x143: {  	p0 =	seq.s32 s1, $0x18;
	s26 =	sadd.s32 $0x60, s25;
	s5 =	simm.s32 $0x9780  }
0x144: {  	[hbm4b:s26+s3] =	stream.linear.scatter [tilespmem:s5], [sflag:$0x3], $0x80, $0x38;
	[tilespmem:$0xBA90] =	vst v63  }
0x145: {  	s25 =	sadd.s32 $0x70, s25;
	s26 =	smul.u32 @!p0 $0x440, s1;
	s5 =	simm.s32 $0x9808  }
0x146: {  	[hbm4b:s25+s3] =	stream.linear.scatter [tilespmem:s5], [sflag:$0x3], $0x80, $0x38;
	[tilespmem:$0xBA90] =	vst v63  }
0x147: {  	s28 =	simm.s32 @!p0 $0x3690;
	p1 =	seq.s32 @!p0 s1, $0x0;
	s25 =	sshra.s32 @!p0 s26, $0x2  }
0x148: {  	p1 =	por p0, !p1;
	s26 =	simm.s32 @!p0 $0x80;
	s25 =	sadd.s32 @!p0 $0x1D10, s25  }
0x149: {  	[tilespmem:s28], [sflag:$0x1] =	stream.indirect.gather @!p0 [hbm4b:s4+s26], $0x40, s25, s26, $0xb8;
	[tilespmem:$0xBA90] =	vst v63  }
0x14a: {  	_ =	swait.ge @p1 [sflag:s22], $0x2000  }
0x14b: {  	[sflag:s22] =	ssyncset.done @p1 $0x0  }
0x14c: {  	[sflag:s22] =	ssyncadd.s32 @p1 $0xFFFFE000  }
0x14d: {  	s26 =	simm.s32 $0x0;
	_ =	swait.ge [sflag:s23], $0x2000  }
0x14e: {  	v5 =	vmov s26;
	[sflag:s23] =	ssyncset.done $0x0  }
0x14f: {  	s25 =	simm.s32 $0x5780;
	v5 =	vand.u32 $0x7C, v5;
	[sflag:s23] =	ssyncadd.s32 $0xFFFFE000  }
0x150: {  	v7 =	vadd.s32 v0, v5;
	v6 =	vld [tilespmem:s25+$0xFFFFFF10];
	_ =	sdelay $0x4  }
0x151: {  	[tilespmem:v7+s2+$0x0] =	vst.idx.msk $0xffff, v6  }
0x152: {  	v7 =	vadd.s32 v1, v5;
	v6 =	vld [tilespmem:s25+$0xFFFFFF20];
	_ =	sdelay $0x4  }
0x153: {  	[tilespmem:v7+s2+$0x0] =	vst.idx.msk $0xffff, v6  }
0x154: {  	v7 =	vadd.s32 v2, v5;
	v6 =	vld [tilespmem:s25+$0xFFFFFF30];
	_ =	sdelay $0x4  }
0x155: {  	[tilespmem:v7+s2+$0x0] =	vst.idx.msk $0xffff, v6  }
0x156: {  	v5 =	vadd.s32 v4, v5;
	v6 =	vld [tilespmem:s25+$0xFFFFFF40];
	_ =	sdelay $0x2  }
0x157: {  	s5 =	simm.s32 $0x1  }
0x158: {  	v7 =	vmov s5  }
0x159: {  	[tilespmem:v5+s2+$0x0] =	vst.idx.msk $0xffff, v6;
	v5 =	vand.u32 $0x7D, v7  }
0x15a: {  	v6 =	vld [tilespmem:s25+$0xFFFFFF50];
	v7 =	vadd.s32 v0, v5;
	_ =	sdelay $0x4  }
0x15b: {  	[tilespmem:v7+s2+$0x0] =	vst.idx.msk $0xffff, v6  }
0x15c: {  	v7 =	vadd.s32 v1, v5;
	v6 =	vld [tilespmem:s25+$0xFFFFFF60];
	_ =	sdelay $0x4  }
0x15d: {  	[tilespmem:v7+s2+$0x0] =	vst.idx.msk $0xffff, v6  }
0x15e: {  	v7 =	vadd.s32 v2, v5;
	v6 =	vld [tilespmem:s25+$0xFFFFFF70];
	_ =	sdelay $0x4  }
0x15f: {  	[tilespmem:v7+s2+$0x0] =	vst.idx.msk $0xffff, v6  }
0x160: {  	v5 =	vadd.s32 v4, v5;
	v6 =	vld [tilespmem:s25+$0xFFFFFF80];
	_ =	sdelay $0x2  }
0x161: {  	s5 =	simm.s32 $0x2  }
0x162: {  	v7 =	vmov s5  }
0x163: {  	[tilespmem:v5+s2+$0x0] =	vst.idx.msk $0xffff, v6;
	v5 =	vand.u32 $0x7E, v7  }
0x164: {  	v6 =	vld [tilespmem:s25+$0xFFFFFF90];
	v7 =	vadd.s32 v0, v5;
	_ =	sdelay $0x4  }
0x165: {  	[tilespmem:v7+s2+$0x0] =	vst.idx.msk $0xffff, v6  }
0x166: {  	v7 =	vadd.s32 v1, v5;
	v6 =	vld [tilespmem:s25+$0xFFFFFFA0];
	_ =	sdelay $0x4  }
0x167: {  	[tilespmem:v7+s2+$0x0] =	vst.idx.msk $0xffff, v6  }
0x168: {  	v7 =	vadd.s32 v2, v5;
	v6 =	vld [tilespmem:s25+$0xFFFFFFB0];
	_ =	sdelay $0x4  }
0x169: {  	[tilespmem:v7+s2+$0x0] =	vst.idx.msk $0xffff, v6  }
0x16a: {  	v5 =	vadd.s32 v4, v5;
	v6 =	vld [tilespmem:s25+$0xFFFFFFC0];
	_ =	sdelay $0x2  }
0x16b: {  	s5 =	simm.s32 $0x3  }
0x16c: {  	v7 =	vmov s5  }
0x16d: {  	[tilespmem:v5+s2+$0x0] =	vst.idx.msk $0xffff, v6;
	v6 =	vand.u32 $0x7F, v7  }
0x16e: {  	v5 =	vld [tilespmem:s25+$0xFFFFFFD0];
	v7 =	vadd.s32 v0, v6;
	_ =	sdelay $0x4  }
0x16f: {  	[tilespmem:v7+s2+$0x0] =	vst.idx.msk $0xffff, v5  }
0x170: {  	v7 =	vadd.s32 v1, v6;
	v5 =	vld [tilespmem:s25+$0xFFFFFFE0];
	_ =	sdelay $0x4  }
0x171: {  	[tilespmem:v7+s2+$0x0] =	vst.idx.msk $0xffff, v5  }
0x172: {  	v7 =	vadd.s32 v2, v6;
	v5 =	vld [tilespmem:s25+$0xFFFFFFF0];
	_ =	sdelay $0x4  }
0x173: {  	[tilespmem:v7+s2+$0x0] =	vst.idx.msk $0xffff, v5  }
0x174: {  	v6 =	vadd.s32 v4, v6;
	v5 =	vld [tilespmem:s25+$0x0];
	_ =	sdelay $0x2  }
0x175: {  	s26 =	simm.s32 $0x4  }
0x176: {  	s28 =	simm.s32 $0x8;
	v7 =	vmov s26  }
.LBB2_7:
0x177: {  	p1 =	sne.s32 s28, $0x7C;
	v7 =	vand.u32 $0x7C, v7;
	[tilespmem:v6+s2+$0x0] =	vst.idx.msk $0xffff, v5;
	s25 =	sadd.s32 $0x100, s25  }
0x178: {  	v5 =	vld [tilespmem:s25+$0xFFFFFF10];
	v6 =	vadd.s32 v0, v7;
	_ =	sdelay $0x4  }
0x179: {  	[tilespmem:v6+s2+$0x0] =	vst.idx.msk $0xffff, v5  }
0x17a: {  	v6 =	vadd.s32 v1, v7;
	v5 =	vld [tilespmem:s25+$0xFFFFFF20];
	_ =	sdelay $0x4  }
0x17b: {  	[tilespmem:v6+s2+$0x0] =	vst.idx.msk $0xffff, v5  }
0x17c: {  	v6 =	vadd.s32 v2, v7;
	v5 =	vld [tilespmem:s25+$0xFFFFFF30];
	_ =	sdelay $0x4  }
0x17d: {  	[tilespmem:v6+s2+$0x0] =	vst.idx.msk $0xffff, v5  }
0x17e: {  	v6 =	vadd.s32 v4, v7;
	v5 =	vld [tilespmem:s25+$0xFFFFFF40];
	_ =	sdelay $0x2  }
0x17f: {  	s5 =	sadd.s32 $0x1, s26  }
0x180: {  	v7 =	vmov s5  }
0x181: {  	[tilespmem:v6+s2+$0x0] =	vst.idx.msk $0xffff, v5;
	v5 =	vand.u32 $0x7D, v7  }
0x182: {  	v6 =	vld [tilespmem:s25+$0xFFFFFF50];
	v7 =	vadd.s32 v0, v5;
	_ =	sdelay $0x4  }
0x183: {  	[tilespmem:v7+s2+$0x0] =	vst.idx.msk $0xffff, v6  }
0x184: {  	v7 =	vadd.s32 v1, v5;
	v6 =	vld [tilespmem:s25+$0xFFFFFF60];
	_ =	sdelay $0x4  }
0x185: {  	[tilespmem:v7+s2+$0x0] =	vst.idx.msk $0xffff, v6  }
0x186: {  	v7 =	vadd.s32 v2, v5;
	v6 =	vld [tilespmem:s25+$0xFFFFFF70];
	_ =	sdelay $0x4  }
0x187: {  	[tilespmem:v7+s2+$0x0] =	vst.idx.msk $0xffff, v6  }
0x188: {  	v5 =	vadd.s32 v4, v5;
	v6 =	vld [tilespmem:s25+$0xFFFFFF80];
	_ =	sdelay $0x2  }
0x189: {  	s5 =	sadd.s32 $0x2, s26  }
0x18a: {  	v7 =	vmov s5  }
0x18b: {  	[tilespmem:v5+s2+$0x0] =	vst.idx.msk $0xffff, v6;
	v5 =	vand.u32 $0x7E, v7  }
0x18c: {  	v6 =	vld [tilespmem:s25+$0xFFFFFF90];
	v7 =	vadd.s32 v0, v5;
	_ =	sdelay $0x4  }
0x18d: {  	[tilespmem:v7+s2+$0x0] =	vst.idx.msk $0xffff, v6  }
0x18e: {  	v7 =	vadd.s32 v1, v5;
	v6 =	vld [tilespmem:s25+$0xFFFFFFA0];
	_ =	sdelay $0x4  }
0x18f: {  	[tilespmem:v7+s2+$0x0] =	vst.idx.msk $0xffff, v6  }
0x190: {  	v7 =	vadd.s32 v2, v5;
	v6 =	vld [tilespmem:s25+$0xFFFFFFB0];
	_ =	sdelay $0x4  }
0x191: {  	[tilespmem:v7+s2+$0x0] =	vst.idx.msk $0xffff, v6  }
0x192: {  	v5 =	vadd.s32 v4, v5;
	v6 =	vld [tilespmem:s25+$0xFFFFFFC0];
	_ =	sdelay $0x2  }
0x193: {  	s5 =	sadd.s32 $0x3, s26;
	s26 =	smov.u32 s28  }
0x194: {  	v7 =	vmov s5  }
0x195: {  	[tilespmem:v5+s2+$0x0] =	vst.idx.msk $0xffff, v6;
	v6 =	vand.u32 $0x7F, v7  }
0x196: {  	v5 =	vld [tilespmem:s25+$0xFFFFFFD0];
	v7 =	vadd.s32 v0, v6;
	_ =	sdelay $0x4  }
0x197: {  	[tilespmem:v7+s2+$0x0] =	vst.idx.msk $0xffff, v5  }
0x198: {  	v7 =	vadd.s32 v1, v6;
	v5 =	vld [tilespmem:s25+$0xFFFFFFE0];
	_ =	sdelay $0x4  }
0x199: {  	[tilespmem:v7+s2+$0x0] =	vst.idx.msk $0xffff, v5  }
0x19a: {  	v7 =	vadd.s32 v2, v6;
	v5 =	vld [tilespmem:s25+$0xFFFFFFF0];
	_ =	sdelay $0x4  }
0x19b: {  	[tilespmem:v7+s2+$0x0] =	vst.idx.msk $0xffff, v5  }
.Ltmp4:
0x19c: {  	v6 =	vadd.s32 v4, v6;
	v5 =	vld [tilespmem:s25+$0x0];
	(pc) =	sbr.rel @p1 .LBB2_7-.Ltmp4, $2  }
0x19d: {  	_ =	sdelay $0x2  }
0x19e: {  	s28 =	sadd.s32 $0x4, s28;
	v7 =	vmov s26  }
0x19f: {  	_ =	sdelay $0x3  }
0x1a0: {  	v7 =	vand.u32 $0x7C, v7;
	[tilespmem:v6+s2+$0x0] =	vst.idx.msk $0xffff, v5;
	s5 =	sadd.s32 $0x100, s25  }
0x1a1: {  	v5 =	vld [tilespmem:s5+$0xFFFFFF10];
	v6 =	vadd.s32 v0, v7;
	_ =	sdelay $0x4  }
0x1a2: {  	[tilespmem:v6+s2+$0x0] =	vst.idx.msk $0xffff, v5  }
0x1a3: {  	v6 =	vadd.s32 v1, v7;
	v5 =	vld [tilespmem:s5+$0xFFFFFF20];
	_ =	sdelay $0x4  }
0x1a4: {  	[tilespmem:v6+s2+$0x0] =	vst.idx.msk $0xffff, v5  }
0x1a5: {  	v6 =	vadd.s32 v2, v7;
	v5 =	vld [tilespmem:s5+$0xFFFFFF30];
	_ =	sdelay $0x4  }
0x1a6: {  	[tilespmem:v6+s2+$0x0] =	vst.idx.msk $0xffff, v5  }
0x1a7: {  	v6 =	vadd.s32 v4, v7;
	v5 =	vld [tilespmem:s5+$0xFFFFFF40];
	_ =	sdelay $0x2  }
0x1a8: {  	s28 =	sadd.s32 $0x1, s26  }
0x1a9: {  	v7 =	vmov s28  }
0x1aa: {  	[tilespmem:v6+s2+$0x0] =	vst.idx.msk $0xffff, v5;
	v5 =	vand.u32 $0x7D, v7  }
0x1ab: {  	v6 =	vld [tilespmem:s5+$0xFFFFFF50];
	v7 =	vadd.s32 v0, v5;
	_ =	sdelay $0x4  }
0x1ac: {  	[tilespmem:v7+s2+$0x0] =	vst.idx.msk $0xffff, v6  }
0x1ad: {  	v7 =	vadd.s32 v1, v5;
	v6 =	vld [tilespmem:s5+$0xFFFFFF60];
	_ =	sdelay $0x4  }
0x1ae: {  	[tilespmem:v7+s2+$0x0] =	vst.idx.msk $0xffff, v6  }
0x1af: {  	v7 =	vadd.s32 v2, v5;
	v6 =	vld [tilespmem:s5+$0xFFFFFF70];
	_ =	sdelay $0x4  }
0x1b0: {  	[tilespmem:v7+s2+$0x0] =	vst.idx.msk $0xffff, v6  }
0x1b1: {  	v5 =	vadd.s32 v4, v5;
	v6 =	vld [tilespmem:s5+$0xFFFFFF80];
	_ =	sdelay $0x2  }
0x1b2: {  	s28 =	sadd.s32 $0x2, s26  }
0x1b3: {  	v7 =	vmov s28  }
0x1b4: {  	[tilespmem:v5+s2+$0x0] =	vst.idx.msk $0xffff, v6;
	v5 =	vand.u32 $0x7E, v7  }
0x1b5: {  	v6 =	vld [tilespmem:s5+$0xFFFFFF90];
	v7 =	vadd.s32 v0, v5;
	_ =	sdelay $0x4  }
0x1b6: {  	[tilespmem:v7+s2+$0x0] =	vst.idx.msk $0xffff, v6  }
0x1b7: {  	v7 =	vadd.s32 v1, v5;
	v6 =	vld [tilespmem:s5+$0xFFFFFFA0];
	_ =	sdelay $0x4  }
0x1b8: {  	[tilespmem:v7+s2+$0x0] =	vst.idx.msk $0xffff, v6  }
0x1b9: {  	v7 =	vadd.s32 v2, v5;
	v6 =	vld [tilespmem:s5+$0xFFFFFFB0];
	_ =	sdelay $0x4  }
0x1ba: {  	[tilespmem:v7+s2+$0x0] =	vst.idx.msk $0xffff, v6  }
0x1bb: {  	v5 =	vadd.s32 v4, v5;
	v6 =	vld [tilespmem:s5+$0xFFFFFFC0];
	_ =	sdelay $0x2  }
0x1bc: {  	s28 =	sadd.s32 $0x3, s26  }
0x1bd: {  	v7 =	vmov s28  }
0x1be: {  	[tilespmem:v5+s2+$0x0] =	vst.idx.msk $0xffff, v6;
	v5 =	vand.u32 $0x7F, v7  }
0x1bf: {  	v6 =	vld [tilespmem:s5+$0xFFFFFFD0];
	v7 =	vadd.s32 v0, v5;
	_ =	sdelay $0x4  }
0x1c0: {  	[tilespmem:v7+s2+$0x0] =	vst.idx.msk $0xffff, v6  }
0x1c1: {  	v7 =	vadd.s32 v1, v5;
	v6 =	vld [tilespmem:s5+$0xFFFFFFE0];
	_ =	sdelay $0x4  }
0x1c2: {  	[tilespmem:v7+s2+$0x0] =	vst.idx.msk $0xffff, v6  }
0x1c3: {  	v7 =	vadd.s32 v2, v5;
	v6 =	vld [tilespmem:s5+$0xFFFFFFF0];
	_ =	sdelay $0x4  }
0x1c4: {  	[tilespmem:v7+s2+$0x0] =	vst.idx.msk $0xffff, v6  }
0x1c5: {  	v5 =	vadd.s32 v4, v5;
	v6 =	vld [tilespmem:s5+$0x0];
	_ =	sdelay $0x4  }
0x1c6: {  	s5 =	sadd.s32 s0, s14;
	[tilespmem:v5+s2+$0x0] =	vst.idx.msk $0xffff, v6  }
0x1c7: {  	[hbm4b:s5+s3] =	stream.linear.scatter [tilespmem:s2], [sflag:$0x4], $0x80, $0x38;
	[tilespmem:$0xBA90] =	vst v63  }
0x1c8: {  	s28 =	simm.s32 $0x9918;
	s26 =	sadd.s32 $0x10, s5  }
0x1c9: {  	[hbm4b:s26+s3] =	stream.linear.scatter [tilespmem:s28], [sflag:$0x4], $0x80, $0x38;
	[tilespmem:$0xBA90] =	vst v63  }
0x1ca: {  	s26 =	sadd.s32 $0x20, s5;
	s28 =	simm.s32 $0x99A0  }
0x1cb: {  	[hbm4b:s26+s3] =	stream.linear.scatter [tilespmem:s28], [sflag:$0x4], $0x80, $0x38;
	[tilespmem:$0xBA90] =	vst v63  }
0x1cc: {  	s26 =	sadd.s32 $0x30, s5;
	s28 =	simm.s32 $0x9A28  }
0x1cd: {  	[hbm4b:s26+s3] =	stream.linear.scatter [tilespmem:s28], [sflag:$0x4], $0x80, $0x38;
	[tilespmem:$0xBA90] =	vst v63  }
0x1ce: {  	s26 =	sadd.s32 $0x40, s5;
	s28 =	simm.s32 $0x9AB0  }
0x1cf: {  	[hbm4b:s26+s3] =	stream.linear.scatter [tilespmem:s28], [sflag:$0x4], $0x80, $0x38;
	[tilespmem:$0xBA90] =	vst v63  }
0x1d0: {  	s26 =	sadd.s32 $0x50, s5;
	s28 =	simm.s32 $0x9B38  }
0x1d1: {  	[hbm4b:s26+s3] =	stream.linear.scatter [tilespmem:s28], [sflag:$0x4], $0x80, $0x38;
	[tilespmem:$0xBA90] =	vst v63  }
0x1d2: {  	s26 =	sadd.s32 $0x60, s5;
	s28 =	simm.s32 $0x9BC0  }
0x1d3: {  	[hbm4b:s26+s3] =	stream.linear.scatter [tilespmem:s28], [sflag:$0x4], $0x80, $0x38;
	[tilespmem:$0xBA90] =	vst v63  }
0x1d4: {  	s5 =	sadd.s32 $0x70, s5;
	s26 =	simm.s32 $0x9C48  }
0x1d5: {  	[hbm4b:s5+s3] =	stream.linear.scatter [tilespmem:s26], [sflag:$0x4], $0x80, $0x38;
	[tilespmem:$0xBA90] =	vst v63  }
0x1d6: {  	s28 =	simm.s32 $0x9CD0;
	s5 =	sadd.s32 s0, s15  }
0x1d7: {  	[hbm4b:s5+s3] =	stream.linear.scatter [tilespmem:s28], [sflag:$0x4], $0x80, $0x38;
	[tilespmem:$0xBA90] =	vst v63  }
0x1d8: {  	s26 =	sadd.s32 $0x10, s5;
	s28 =	simm.s32 $0x9D58  }
0x1d9: {  	[hbm4b:s26+s3] =	stream.linear.scatter [tilespmem:s28], [sflag:$0x4], $0x80, $0x38;
	[tilespmem:$0xBA90] =	vst v63  }
0x1da: {  	s26 =	sadd.s32 $0x20, s5;
	s28 =	simm.s32 $0x9DE0  }
0x1db: {  	[hbm4b:s26+s3] =	stream.linear.scatter [tilespmem:s28], [sflag:$0x4], $0x80, $0x38;
	[tilespmem:$0xBA90] =	vst v63  }
0x1dc: {  	s26 =	sadd.s32 $0x30, s5;
	s28 =	simm.s32 $0x9E68  }
0x1dd: {  	[hbm4b:s26+s3] =	stream.linear.scatter [tilespmem:s28], [sflag:$0x4], $0x80, $0x38;
	[tilespmem:$0xBA90] =	vst v63  }
0x1de: {  	s26 =	sadd.s32 $0x40, s5;
	s28 =	simm.s32 $0x9EF0  }
0x1df: {  	[hbm4b:s26+s3] =	stream.linear.scatter [tilespmem:s28], [sflag:$0x4], $0x80, $0x38;
	[tilespmem:$0xBA90] =	vst v63  }
0x1e0: {  	s26 =	sadd.s32 $0x50, s5;
	s28 =	simm.s32 $0x9F78  }
0x1e1: {  	[hbm4b:s26+s3] =	stream.linear.scatter [tilespmem:s28], [sflag:$0x4], $0x80, $0x38;
	[tilespmem:$0xBA90] =	vst v63  }
0x1e2: {  	s26 =	sadd.s32 $0x60, s5;
	s28 =	simm.s32 $0xA000  }
0x1e3: {  	[hbm4b:s26+s3] =	stream.linear.scatter [tilespmem:s28], [sflag:$0x4], $0x80, $0x38;
	[tilespmem:$0xBA90] =	vst v63  }
0x1e4: {  	s5 =	sadd.s32 $0x70, s5;
	s26 =	simm.s32 $0xA088  }
0x1e5: {  	[hbm4b:s5+s3] =	stream.linear.scatter [tilespmem:s26], [sflag:$0x4], $0x80, $0x38;
	[tilespmem:$0xBA90] =	vst v63  }
0x1e6: {  	s28 =	simm.s32 $0xA110;
	s5 =	sadd.s32 s0, s16  }
0x1e7: {  	[hbm4b:s5+s3] =	stream.linear.scatter [tilespmem:s28], [sflag:$0x4], $0x80, $0x38;
	[tilespmem:$0xBA90] =	vst v63  }
0x1e8: {  	s26 =	sadd.s32 $0x10, s5;
	s28 =	simm.s32 $0xA198  }
0x1e9: {  	[hbm4b:s26+s3] =	stream.linear.scatter [tilespmem:s28], [sflag:$0x4], $0x80, $0x38;
	[tilespmem:$0xBA90] =	vst v63  }
0x1ea: {  	s26 =	sadd.s32 $0x20, s5;
	s28 =	simm.s32 $0xA220  }
0x1eb: {  	[hbm4b:s26+s3] =	stream.linear.scatter [tilespmem:s28], [sflag:$0x4], $0x80, $0x38;
	[tilespmem:$0xBA90] =	vst v63  }
0x1ec: {  	s26 =	sadd.s32 $0x30, s5;
	s28 =	simm.s32 $0xA2A8  }
0x1ed: {  	[hbm4b:s26+s3] =	stream.linear.scatter [tilespmem:s28], [sflag:$0x4], $0x80, $0x38;
	[tilespmem:$0xBA90] =	vst v63  }
0x1ee: {  	s26 =	sadd.s32 $0x40, s5;
	s28 =	simm.s32 $0xA330  }
0x1ef: {  	[hbm4b:s26+s3] =	stream.linear.scatter [tilespmem:s28], [sflag:$0x4], $0x80, $0x38;
	[tilespmem:$0xBA90] =	vst v63  }
0x1f0: {  	s26 =	sadd.s32 $0x50, s5;
	s28 =	simm.s32 $0xA3B8  }
0x1f1: {  	[hbm4b:s26+s3] =	stream.linear.scatter [tilespmem:s28], [sflag:$0x4], $0x80, $0x38;
	[tilespmem:$0xBA90] =	vst v63  }
0x1f2: {  	s26 =	sadd.s32 $0x60, s5;
	s28 =	simm.s32 $0xA440  }
0x1f3: {  	[hbm4b:s26+s3] =	stream.linear.scatter [tilespmem:s28], [sflag:$0x4], $0x80, $0x38;
	[tilespmem:$0xBA90] =	vst v63  }
0x1f4: {  	s5 =	sadd.s32 $0x70, s5;
	s26 =	simm.s32 $0xA4C8  }
0x1f5: {  	[hbm4b:s5+s3] =	stream.linear.scatter [tilespmem:s26], [sflag:$0x4], $0x80, $0x38;
	[tilespmem:$0xBA90] =	vst v63  }
0x1f6: {  	s28 =	simm.s32 $0xA550;
	s5 =	sadd.s32 s0, s17  }
0x1f7: {  	[hbm4b:s5+s3] =	stream.linear.scatter [tilespmem:s28], [sflag:$0x4], $0x80, $0x38;
	[tilespmem:$0xBA90] =	vst v63  }
0x1f8: {  	s26 =	sadd.s32 $0x10, s5;
	s28 =	simm.s32 $0xA5D8  }
0x1f9: {  	[hbm4b:s26+s3] =	stream.linear.scatter [tilespmem:s28], [sflag:$0x4], $0x80, $0x38;
	[tilespmem:$0xBA90] =	vst v63  }
0x1fa: {  	s26 =	sadd.s32 $0x20, s5;
	s28 =	simm.s32 $0xA660  }
0x1fb: {  	[hbm4b:s26+s3] =	stream.linear.scatter [tilespmem:s28], [sflag:$0x4], $0x80, $0x38;
	[tilespmem:$0xBA90] =	vst v63  }
0x1fc: {  	s26 =	sadd.s32 $0x30, s5;
	s28 =	simm.s32 $0xA6E8  }
0x1fd: {  	[hbm4b:s26+s3] =	stream.linear.scatter [tilespmem:s28], [sflag:$0x4], $0x80, $0x38;
	[tilespmem:$0xBA90] =	vst v63  }
0x1fe: {  	s26 =	sadd.s32 $0x40, s5;
	s28 =	simm.s32 $0xA770  }
0x1ff: {  	[hbm4b:s26+s3] =	stream.linear.scatter [tilespmem:s28], [sflag:$0x4], $0x80, $0x38;
	[tilespmem:$0xBA90] =	vst v63  }
0x200: {  	s26 =	sadd.s32 $0x50, s5;
	s28 =	simm.s32 $0xA7F8  }
0x201: {  	[hbm4b:s26+s3] =	stream.linear.scatter [tilespmem:s28], [sflag:$0x4], $0x80, $0x38;
	[tilespmem:$0xBA90] =	vst v63  }
0x202: {  	s26 =	sadd.s32 $0x60, s5;
	s28 =	simm.s32 $0xA880  }
0x203: {  	[hbm4b:s26+s3] =	stream.linear.scatter [tilespmem:s28], [sflag:$0x4], $0x80, $0x38;
	[tilespmem:$0xBA90] =	vst v63  }
0x204: {  	s5 =	sadd.s32 $0x70, s5;
	s26 =	simm.s32 $0xA908  }
0x205: {  	[hbm4b:s5+s3] =	stream.linear.scatter [tilespmem:s26], [sflag:$0x4], $0x80, $0x38;
	[tilespmem:$0xBA90] =	vst v63  }
0x206: {  	s28 =	simm.s32 $0xA990;
	s5 =	sadd.s32 s0, s18  }
0x207: {  	[hbm4b:s5+s3] =	stream.linear.scatter [tilespmem:s28], [sflag:$0x4], $0x80, $0x38;
	[tilespmem:$0xBA90] =	vst v63  }
0x208: {  	s26 =	sadd.s32 $0x10, s5;
	s28 =	simm.s32 $0xAA18  }
0x209: {  	[hbm4b:s26+s3] =	stream.linear.scatter [tilespmem:s28], [sflag:$0x4], $0x80, $0x38;
	[tilespmem:$0xBA90] =	vst v63  }
0x20a: {  	s26 =	sadd.s32 $0x20, s5;
	s28 =	simm.s32 $0xAAA0  }
0x20b: {  	[hbm4b:s26+s3] =	stream.linear.scatter [tilespmem:s28], [sflag:$0x4], $0x80, $0x38;
	[tilespmem:$0xBA90] =	vst v63  }
0x20c: {  	s26 =	sadd.s32 $0x30, s5;
	s28 =	simm.s32 $0xAB28  }
0x20d: {  	[hbm4b:s26+s3] =	stream.linear.scatter [tilespmem:s28], [sflag:$0x4], $0x80, $0x38;
	[tilespmem:$0xBA90] =	vst v63  }
0x20e: {  	s26 =	sadd.s32 $0x40, s5;
	s28 =	simm.s32 $0xABB0  }
0x20f: {  	[hbm4b:s26+s3] =	stream.linear.scatter [tilespmem:s28], [sflag:$0x4], $0x80, $0x38;
	[tilespmem:$0xBA90] =	vst v63  }
0x210: {  	s26 =	sadd.s32 $0x50, s5;
	s28 =	simm.s32 $0xAC38  }
0x211: {  	[hbm4b:s26+s3] =	stream.linear.scatter [tilespmem:s28], [sflag:$0x4], $0x80, $0x38;
	[tilespmem:$0xBA90] =	vst v63  }
0x212: {  	s26 =	sadd.s32 $0x60, s5;
	s28 =	simm.s32 $0xACC0  }
0x213: {  	[hbm4b:s26+s3] =	stream.linear.scatter [tilespmem:s28], [sflag:$0x4], $0x80, $0x38;
	[tilespmem:$0xBA90] =	vst v63  }
0x214: {  	s5 =	sadd.s32 $0x70, s5;
	s26 =	simm.s32 $0xAD48  }
0x215: {  	[hbm4b:s5+s3] =	stream.linear.scatter [tilespmem:s26], [sflag:$0x4], $0x80, $0x38;
	[tilespmem:$0xBA90] =	vst v63  }
0x216: {  	s28 =	simm.s32 $0xADD0;
	s5 =	sadd.s32 s0, s19  }
0x217: {  	[hbm4b:s5+s3] =	stream.linear.scatter [tilespmem:s28], [sflag:$0x4], $0x80, $0x38;
	[tilespmem:$0xBA90] =	vst v63  }
0x218: {  	s26 =	sadd.s32 $0x10, s5;
	s28 =	simm.s32 $0xAE58  }
0x219: {  	[hbm4b:s26+s3] =	stream.linear.scatter [tilespmem:s28], [sflag:$0x4], $0x80, $0x38;
	[tilespmem:$0xBA90] =	vst v63  }
0x21a: {  	s26 =	sadd.s32 $0x20, s5;
	s28 =	simm.s32 $0xAEE0  }
0x21b: {  	[hbm4b:s26+s3] =	stream.linear.scatter [tilespmem:s28], [sflag:$0x4], $0x80, $0x38;
	[tilespmem:$0xBA90] =	vst v63  }
0x21c: {  	s26 =	sadd.s32 $0x30, s5;
	s28 =	simm.s32 $0xAF68  }
0x21d: {  	[hbm4b:s26+s3] =	stream.linear.scatter [tilespmem:s28], [sflag:$0x4], $0x80, $0x38;
	[tilespmem:$0xBA90] =	vst v63  }
0x21e: {  	s26 =	sadd.s32 $0x40, s5;
	s28 =	simm.s32 $0xAFF0  }
0x21f: {  	[hbm4b:s26+s3] =	stream.linear.scatter [tilespmem:s28], [sflag:$0x4], $0x80, $0x38;
	[tilespmem:$0xBA90] =	vst v63  }
0x220: {  	s26 =	sadd.s32 $0x50, s5;
	s28 =	simm.s32 $0xB078  }
0x221: {  	[hbm4b:s26+s3] =	stream.linear.scatter [tilespmem:s28], [sflag:$0x4], $0x80, $0x38;
	[tilespmem:$0xBA90] =	vst v63  }
0x222: {  	s26 =	sadd.s32 $0x60, s5;
	s28 =	simm.s32 $0xB100  }
0x223: {  	[hbm4b:s26+s3] =	stream.linear.scatter [tilespmem:s28], [sflag:$0x4], $0x80, $0x38;
	[tilespmem:$0xBA90] =	vst v63  }
0x224: {  	s5 =	sadd.s32 $0x70, s5;
	s26 =	simm.s32 $0xB188  }
0x225: {  	[hbm4b:s5+s3] =	stream.linear.scatter [tilespmem:s26], [sflag:$0x4], $0x80, $0x38;
	[tilespmem:$0xBA90] =	vst v63  }
0x226: {  	s28 =	simm.s32 $0xB210;
	s5 =	sadd.s32 s0, s20  }
0x227: {  	[hbm4b:s5+s3] =	stream.linear.scatter [tilespmem:s28], [sflag:$0x4], $0x80, $0x38;
	[tilespmem:$0xBA90] =	vst v63  }
0x228: {  	s26 =	sadd.s32 $0x10, s5;
	s28 =	simm.s32 $0xB298  }
0x229: {  	[hbm4b:s26+s3] =	stream.linear.scatter [tilespmem:s28], [sflag:$0x4], $0x80, $0x38;
	[tilespmem:$0xBA90] =	vst v63  }
0x22a: {  	s26 =	sadd.s32 $0x20, s5;
	s28 =	simm.s32 $0xB320  }
0x22b: {  	[hbm4b:s26+s3] =	stream.linear.scatter [tilespmem:s28], [sflag:$0x4], $0x80, $0x38;
	[tilespmem:$0xBA90] =	vst v63  }
0x22c: {  	s26 =	sadd.s32 $0x30, s5;
	s28 =	simm.s32 $0xB3A8  }
0x22d: {  	[hbm4b:s26+s3] =	stream.linear.scatter [tilespmem:s28], [sflag:$0x4], $0x80, $0x38;
	[tilespmem:$0xBA90] =	vst v63  }
0x22e: {  	s26 =	sadd.s32 $0x40, s5;
	s28 =	simm.s32 $0xB430  }
0x22f: {  	[hbm4b:s26+s3] =	stream.linear.scatter [tilespmem:s28], [sflag:$0x4], $0x80, $0x38;
	[tilespmem:$0xBA90] =	vst v63  }
0x230: {  	s26 =	sadd.s32 $0x50, s5;
	s28 =	simm.s32 $0xB4B8  }
0x231: {  	[hbm4b:s26+s3] =	stream.linear.scatter [tilespmem:s28], [sflag:$0x4], $0x80, $0x38;
	[tilespmem:$0xBA90] =	vst v63  }
0x232: {  	s26 =	sadd.s32 $0x60, s5;
	s28 =	simm.s32 $0xB540  }
0x233: {  	[hbm4b:s26+s3] =	stream.linear.scatter [tilespmem:s28], [sflag:$0x4], $0x80, $0x38;
	[tilespmem:$0xBA90] =	vst v63  }
0x234: {  	s5 =	sadd.s32 $0x70, s5;
	s28 =	simm.s32 $0xB5C8  }
0x235: {  	[hbm4b:s5+s3] =	stream.linear.scatter [tilespmem:s28], [sflag:$0x4], $0x80, $0x38;
	[tilespmem:$0xBA90] =	vst v63  }
0x236: {  	s25 =	simm.s32 $0xB650;
	s0 =	sadd.s32 s0, s21  }
0x237: {  	[hbm4b:s0+s3] =	stream.linear.scatter [tilespmem:s25], [sflag:$0x4], $0x80, $0x38;
	[tilespmem:$0xBA90] =	vst v63  }
0x238: {  	s26 =	sadd.s32 $0x10, s0;
	s28 =	simm.s32 $0xB6D8  }
0x239: {  	[hbm4b:s26+s3] =	stream.linear.scatter [tilespmem:s28], [sflag:$0x4], $0x80, $0x38;
	[tilespmem:$0xBA90] =	vst v63  }
0x23a: {  	s26 =	sadd.s32 $0x20, s0;
	s28 =	simm.s32 $0xB760  }
0x23b: {  	[hbm4b:s26+s3] =	stream.linear.scatter [tilespmem:s28], [sflag:$0x4], $0x80, $0x38;
	[tilespmem:$0xBA90] =	vst v63  }
0x23c: {  	s26 =	sadd.s32 $0x30, s0;
	s28 =	simm.s32 $0xB7E8  }
0x23d: {  	[hbm4b:s26+s3] =	stream.linear.scatter [tilespmem:s28], [sflag:$0x4], $0x80, $0x38;
	[tilespmem:$0xBA90] =	vst v63  }
0x23e: {  	s26 =	sadd.s32 $0x40, s0;
	s28 =	simm.s32 $0xB870  }
0x23f: {  	[hbm4b:s26+s3] =	stream.linear.scatter [tilespmem:s28], [sflag:$0x4], $0x80, $0x38;
	[tilespmem:$0xBA90] =	vst v63  }
0x240: {  	s26 =	sadd.s32 $0x50, s0;
	s28 =	simm.s32 $0xB8F8  }
0x241: {  	[hbm4b:s26+s3] =	stream.linear.scatter [tilespmem:s28], [sflag:$0x4], $0x80, $0x38;
	[tilespmem:$0xBA90] =	vst v63  }
.Ltmp5:
0x242: {  	_ = 	snop;
	(pc) =	sbr.rel @p0 .LBB2_10-.Ltmp5, $4  }
0x243: {  	s25 =	sadd.s32 $0x60, s0;
	s26 =	simm.s32 $0xB980  }
0x244: {  	[hbm4b:s25+s3] =	stream.linear.scatter [tilespmem:s26], [sflag:$0x4], $0x80, $0x38;
	[tilespmem:$0xBA90] =	vst v63  }
0x245: {  	s0 =	sadd.s32 $0x70, s0;
	s28 =	simm.s32 $0xBA08  }
0x246: {  	[hbm4b:s0+s3] =	stream.linear.scatter [tilespmem:s28], [sflag:$0x4], $0x80, $0x38;
	[tilespmem:$0xBA90] =	vst v63  }
0x247: {  	s0 =	smul.u32 $0x440, s1  }
.Ltmp6:
0x248: {  	_ = 	snop;
	(pc) =	sbr.rel .LBB2_4-.Ltmp6, $4  }
0x249: {  	_ = 	snop  }
0x24a: {  	s5 =	simm.s32 $0x80;
	s0 =	sshra.s32 s0, $0x2  }
0x24b: {  	s25 =	simm.s32 $0x5690;
	s1 =	sadd.s32 $0x1, s1;
	s0 =	sadd.s32 $0x1D98, s0  }
0x24c: {  	[tilespmem:s25], [sflag:$0x2] =	stream.indirect.gather [hbm4b:s4+s5], $0x40, s0, s5, $0xb8;
	[tilespmem:$0xBA90] =	vst v63  }
.LBB2_11:
0x24d: {  	_ =	sfence.sel $0x180000  }
0x24e: {  	[bflag:$0x0] =	sbarrier.arrive $0xFFFF  }
0x24f: {  	_ =	strace $0x90000047  }
0x250: {  	s0 =	stileid.u32;
	[bflag:$0x2] =	sbarrier.arrive $0xFFFF  }
0x251: {  	p0 =	sne.s32 s0, $0x0;
	s0 =	rddreg [dreg:$0x2]  }
0x252: {  	s0 =	sadd.s32 @!p0 $0x100000, s0  }
0x253: {  	[sflag:s0] =	ssyncadd.tile.s32 @!p0 $0x1;
	_ =	shalt  }
.Lfunc_end2:
_tile_overlayer_lowered:
.L_overlay_start_2:
0x254: {  	(tag) =	ssettag $0x2  }
0x255: {  	s0 =	rddreg [dreg:$0x0];
	s2 =	stileid.u32  }
0x256: {  	s1 =	rddreg [dreg:$0x1];
	p0 =	sne.s32 s2, $0x0  }
0x257: {  	s3 =	rddreg [dreg:$0x2];
	[bflag:$0x3] =	sbarrier.arrive $0xFFFF;
	s2 =	simm.s32 @!p0 $0x1C05  }
0x258: {  	[timem:s3], [sflag:s2] =	dma.local @!p0 [hbm:s0], s1  }
0x259: {  	s0 =	simm.s32 @!p0 $0x5  }
0x25a: {  	_ =	swait.ge @!p0 [sflag:s0], s1  }
0x25b: {  	s1 =	ssub.s32 @!p0 $0x0, s1;
	[sflag:s0] =	ssyncset.done @!p0 $0x0  }
0x25c: {  	[sflag:s0] =	ssyncadd.s32 @!p0 s1  }
0x25d: {  	[bflag:$0x3] =	sbarrier.arrive $0xFFFF  }
0x25e: {  	_ =	shalt  }

</sc_bundles>
